<compile_context>
chip_gen: v7x
topology: tpu7x:2x2x1
jax: 0.10.2.dev20260603
libtpu: 0.0.44.dev20260713+nightly
codegen_flags: <defaults>
</compile_context>

<pallas_src>
import functools

import jax
import jax.numpy as jnp
from jax import lax
from jax.experimental import pallas as pl
from jax.experimental.pallas import tpu as pltpu
from jax.experimental.pallas import tpu_sc as plsc

NC = 2
NS = 16
NW = NC * NS
K = 128
D = 32
CHUNKS = 100
NBUF = 10
NGROUPS = CHUNKS // NBUF
N = 4096
M = 100

V = 1000000
C_T = 65536
Q_T = C_T // 4
G_T = -(-V // C_T)
RPAD = G_T * Q_T

_mesh = plsc.VectorSubcoreMesh(core_axis_name="c", subcore_axis_name="s")


def _pack_body(x_ref, o_ref):
    x = x_ref[...]
    in4 = jnp.concatenate(
        [x[:, a * Q_T:(a + 1) * Q_T] for a in range(4)], axis=0
    )
    o_ref[...] = jnp.transpose(in4)


def _tc_pack(table_fm):
    return pl.pallas_call(
        _pack_body,
        grid=(G_T,),
        in_specs=[pl.BlockSpec((32, C_T), lambda g: (0, g))],
        out_specs=pl.BlockSpec((Q_T, 128), lambda g: (g, 0)),
        out_shape=jax.ShapeDtypeStruct((RPAD, 128), jnp.float32),
    )(table_fm)


def _unpack_body(x_ref, o_ref):
    xt = jnp.transpose(x_ref[...])
    o_ref[...] = jnp.concatenate(
        [
            jnp.concatenate(
                [xt[32 * j:32 * (j + 1), 1024 * dm:1024 * (dm + 1)]
                 for j in range(4)],
                axis=1,
            )
            for dm in range(4)
        ],
        axis=0,
    )


def _tc_unpack(x):
    return pl.pallas_call(
        _unpack_body,
        grid=(M // 4,),
        in_specs=[pl.BlockSpec((4 * 1024, 128), lambda g: (g, 0))],
        out_specs=pl.BlockSpec((128, N), lambda g: (g, 0)),
        out_shape=jax.ShapeDtypeStruct((M * D, N), jnp.float32),
    )(x)


@functools.partial(
    pl.kernel,
    mesh=_mesh,
    compiler_params=pltpu.CompilerParams(use_tc_tiling_on_sc=False),
    out_type=jax.ShapeDtypeStruct((M, N, D), jnp.float32),
    scratch_types=[
        pltpu.VMEM((CHUNKS, K), jnp.int32),
    ]
    + [pltpu.VMEM((K, D), jnp.float32) for _ in range(NBUF)]
    + [pltpu.SemaphoreType.DMA for _ in range(2 * NBUF)],
)
def _embed_gather(idx_hbm, table_hbm, out_hbm, idx_v, *rest):
    bufs = rest[:NBUF]
    gsems = rest[NBUF:2 * NBUF]
    osems = rest[2 * NBUF:]
    wid = lax.axis_index("s") * NC + lax.axis_index("c")
    pbase = wid * K
    pltpu.sync_copy(idx_hbm.at[:, pl.ds(pbase, K)], idx_v)

    def xform(m, carry):
        for c in range(K // 16):
            sl = pl.ds(c * 16, 16)
            v = idx_v[m, sl]
            j = (v & -C_T) + ((v & (Q_T - 1)) << 2) + ((v >> 14) & 3)
            idx_v[m, sl] = j
        return carry

    lax.fori_loop(0, CHUNKS, xform, 0)

    def fire_gather(m, b):
        pltpu.async_copy(table_hbm.at[idx_v.at[m]], bufs[b], gsems[b])

    def drain_gather(b):
        pltpu.make_async_copy(
            table_hbm.at[idx_v.at[0]], bufs[b], gsems[b]
        ).wait()

    def fire_out(m, b):
        pltpu.async_copy(bufs[b], out_hbm.at[m, pl.ds(pbase, K)], osems[b])

    def drain_out(b):
        pltpu.make_async_copy(
            bufs[b], out_hbm.at[0, pl.ds(0, K)], osems[b]
        ).wait()

    for b in range(NBUF):
        fire_gather(b, b)

    def body(g, carry):
        for b in range(NBUF):
            drain_gather(b)
            fire_out(g * NBUF + b, b)
        for b in range(NBUF):
            drain_out(b)
            fire_gather((g + 1) * NBUF + b, b)
        return carry

    lax.fori_loop(0, NGROUPS - 1, body, 0)

    for b in range(NBUF):
        m = (NGROUPS - 1) * NBUF + b
        drain_gather(b)
        fire_out(m, b)
    for b in range(NBUF):
        drain_out(b)


def kernel(inputs, embedding):
    t4 = _tc_pack(embedding.T)
    table = t4.reshape(RPAD * 4, D)
    idx_p = (
        inputs.T.astype(jnp.int32)
        .reshape(M, 4, N // 4)
        .transpose(0, 2, 1)
        .reshape(M, N)
    )
    out_sc = _embed_gather(idx_p, table)
    out4 = _tc_unpack(out_sc.reshape(M * N * D // 128, 128))
    return jnp.transpose(out4.reshape(M, D, N), (2, 0, 1))

# --- scband reference (transcript-rebuilt; emitter-appended) ---
"""Pipeline reference for scband-embed-56014963474466 (READ-ONLY COPY).

The authoritative reference and input builder live on the scoring server;
editing this copy changes nothing except your own understanding.
"""

import jax, jax.numpy as jnp
import numpy as np


def setup_inputs(seed: int = 0) -> dict:
    key = jax.random.key(seed)
    k_idx, k_emb = jax.random.split(key)
    inputs = jax.random.randint(k_idx, (4096, 100), 0, 1000000, dtype=jnp.int64 if jax.config.jax_enable_x64 else jnp.int32)
    embedding = jax.random.normal(k_emb, (1000000, 32), dtype=jnp.float32)
    return {"inputs": inputs, "embedding": embedding}


def reference(inputs, embedding):
    # Faithful translation of Embed.forward with one_hot=False:
    #   output = self.embedding[inputs]
    output = jnp.take(embedding, inputs, axis=0)
    return output

if __name__ == "__main__":
    import jax
    _d = setup_inputs()
    print(jax.jit(kernel)(*tuple(_d.values())))

</pallas_src>

<mosaic_0001>
#map = affine_map<(d0, d1) -> (0, 0)>
#map1 = affine_map<(d0, d1) -> (0, 0, 0)>
module attributes {stable_mosaic.version = 14 : i64} {
  func.func @_embed_gather(%arg0: i32, %arg1: i32, %arg2: memref<100x4096xi32, #tpu.memory_space<hbm>>, %arg3: memref<1048576x32xf32, #tpu.memory_space<hbm>>, %arg4: memref<100x4096x32xf32, #tpu.memory_space<hbm>>, %arg5: memref<100x128xi32, #tpu.memory_space<vmem>>, %arg6: memref<128x32xf32, #tpu.memory_space<vmem>>, %arg7: memref<128x32xf32, #tpu.memory_space<vmem>>, %arg8: memref<128x32xf32, #tpu.memory_space<vmem>>, %arg9: memref<128x32xf32, #tpu.memory_space<vmem>>, %arg10: memref<128x32xf32, #tpu.memory_space<vmem>>, %arg11: memref<128x32xf32, #tpu.memory_space<vmem>>, %arg12: memref<128x32xf32, #tpu.memory_space<vmem>>, %arg13: memref<128x32xf32, #tpu.memory_space<vmem>>, %arg14: memref<128x32xf32, #tpu.memory_space<vmem>>, %arg15: memref<128x32xf32, #tpu.memory_space<vmem>>, %arg16: memref<!tpu.dma_semaphore, #tpu.memory_space<semaphore_mem>>, %arg17: memref<!tpu.dma_semaphore, #tpu.memory_space<semaphore_mem>>, %arg18: memref<!tpu.dma_semaphore, #tpu.memory_space<semaphore_mem>>, %arg19: memref<!tpu.dma_semaphore, #tpu.memory_space<semaphore_mem>>, %arg20: memref<!tpu.dma_semaphore, #tpu.memory_space<semaphore_mem>>, %arg21: memref<!tpu.dma_semaphore, #tpu.memory_space<semaphore_mem>>, %arg22: memref<!tpu.dma_semaphore, #tpu.memory_space<semaphore_mem>>, %arg23: memref<!tpu.dma_semaphore, #tpu.memory_space<semaphore_mem>>, %arg24: memref<!tpu.dma_semaphore, #tpu.memory_space<semaphore_mem>>, %arg25: memref<!tpu.dma_semaphore, #tpu.memory_space<semaphore_mem>>, %arg26: memref<!tpu.dma_semaphore, #tpu.memory_space<semaphore_mem>>, %arg27: memref<!tpu.dma_semaphore, #tpu.memory_space<semaphore_mem>>, %arg28: memref<!tpu.dma_semaphore, #tpu.memory_space<semaphore_mem>>, %arg29: memref<!tpu.dma_semaphore, #tpu.memory_space<semaphore_mem>>, %arg30: memref<!tpu.dma_semaphore, #tpu.memory_space<semaphore_mem>>, %arg31: memref<!tpu.dma_semaphore, #tpu.memory_space<semaphore_mem>>, %arg32: memref<!tpu.dma_semaphore, #tpu.memory_space<semaphore_mem>>, %arg33: memref<!tpu.dma_semaphore, #tpu.memory_space<semaphore_mem>>, %arg34: memref<!tpu.dma_semaphore, #tpu.memory_space<semaphore_mem>>, %arg35: memref<!tpu.dma_semaphore, #tpu.memory_space<semaphore_mem>>) attributes {dimension_semantics = [#tpu.dimension_semantics<core_parallel>, #tpu.dimension_semantics<subcore_parallel>], iteration_bounds = array<i64: 2, 16>, scalar_prefetch = 0 : i64, scratch_operands = 31 : i64, tpu.core_type = #tpu.core_type<sc_vector_subcore>, window_params = [{transform_indices = #map}, {transform_indices = #map}, {transform_indices = #map1}]} {
    %mul3A = arith.constant 2 : i32
    %mul3A_0 = arith.muli %arg1, %mul3A : i32
    %add3A = arith.addi %mul3A_0, %arg0 : i32
    %mul3A_1 = arith.constant 128 : i32
    %mul3A_2 = arith.muli %add3A, %mul3A_1 : i32
    "tpu.region"() ({
      %run_scoped3A = tpu.sem_alloc : memref<!tpu.dma_semaphore, #tpu.memory_space<semaphore_mem>>
      %dma_start3A_312 = arith.constant 0 : i32
      %dma_start3A_313 = tpu.memref_slice %arg2[%dma_start3A_312, %mul3A_2] : memref<100x4096xi32, #tpu.memory_space<hbm>> -> memref<100x128xi32, #tpu.memory_space<hbm>>
      %dma_start3A_314 = arith.constant 0 : i32
      %dma_start3A_315 = tpu.memref_slice %arg2[%dma_start3A_314, %mul3A_2] : memref<100x4096xi32, #tpu.memory_space<hbm>> -> memref<100x128xi32, #tpu.memory_space<hbm>>
      tpu.enqueue_dma source(%dma_start3A_315 : memref<100x128xi32, #tpu.memory_space<hbm>>) target(%arg5 : memref<100x128xi32, #tpu.memory_space<vmem>>) target_semaphore(%run_scoped3A : memref<!tpu.dma_semaphore, #tpu.memory_space<semaphore_mem>>)
      %dma_wait3A_316 = arith.constant 0 : i32
      %dma_wait3A_317 = tpu.memref_slice %arg2[%dma_wait3A_316, %mul3A_2] : memref<100x4096xi32, #tpu.memory_space<hbm>> -> memref<100x128xi32, #tpu.memory_space<hbm>>
      %dma_wait3A_318 = arith.constant 0 : i32
      %dma_wait3A_319 = tpu.memref_slice %arg2[%dma_wait3A_318, %mul3A_2] : memref<100x4096xi32, #tpu.memory_space<hbm>> -> memref<100x128xi32, #tpu.memory_space<hbm>>
      tpu.wait_dma2 semaphore(%run_scoped3A : memref<!tpu.dma_semaphore, #tpu.memory_space<semaphore_mem>>) src(%dma_wait3A_319 : memref<100x128xi32, #tpu.memory_space<hbm>>) dst(%arg5 : memref<100x128xi32, #tpu.memory_space<vmem>>)
      tpu.yield
    }) : () -> ()
    %scan3A = arith.constant 0 : i32
    %scan3A_3 = arith.constant 0 : i32
    %scan3A_4 = arith.constant 100 : i32
    %scan3A_5 = arith.addi %scan3A_3, %scan3A_4 : i32
    %scan3A_6 = arith.constant 1 : i32
    scf.for %scan3A_312 = %scan3A_3 to %scan3A_5 step %scan3A_6  : i32 {
      %get3A = arith.index_cast %scan3A_312 : i32 to index
      %get3A_313 = arith.constant 0 : index
      %get3A_314 = tpu.vector_load %arg5[%get3A, %get3A_313] {strides = array<i32>} : memref<100x128xi32, #tpu.memory_space<vmem>>, vector<1x16xi32>,
      %get3A_315 = vector.shape_cast %get3A_314 : vector<1x16xi32> to vector<16xi32>
      %and3A = arith.constant -65536 : i32
      %and3A_316 = vector.broadcast %and3A : i32 to vector<16xi32>
      %and3A_317 = arith.andi %get3A_315, %and3A_316 : vector<16xi32>
      %and3A_318 = arith.constant 16383 : i32
      %and3A_319 = vector.broadcast %and3A_318 : i32 to vector<16xi32>
      %and3A_320 = arith.andi %get3A_315, %and3A_319 : vector<16xi32>
      %shift_left3A = arith.constant 2 : i32
      %shift_left3A_321 = vector.broadcast %shift_left3A : i32 to vector<16xi32>
      %shift_left3A_322 = arith.shli %and3A_320, %shift_left3A_321 : vector<16xi32>
      %add3A_323 = arith.addi %and3A_317, %shift_left3A_322 : vector<16xi32>
      %shift_right_arithmetic3A = arith.constant 14 : i32
      %shift_right_arithmetic3A_324 = vector.broadcast %shift_right_arithmetic3A : i32 to vector<16xi32>
      %shift_right_arithmetic3A_325 = arith.shrsi %get3A_315, %shift_right_arithmetic3A_324 : vector<16xi32>
      %and3A_326 = arith.constant 3 : i32
      %and3A_327 = vector.broadcast %and3A_326 : i32 to vector<16xi32>
      %and3A_328 = arith.andi %shift_right_arithmetic3A_325, %and3A_327 : vector<16xi32>
      %add3A_329 = arith.addi %add3A_323, %and3A_328 : vector<16xi32>
      %swap3A = arith.index_cast %scan3A_312 : i32 to index
      %swap3A_330 = arith.constant 0 : index
      %swap3A_331 = tpu.vector_load %arg5[%swap3A, %swap3A_330] {strides = array<i32>} : memref<100x128xi32, #tpu.memory_space<vmem>>, vector<1x16xi32>,
      %swap3A_332 = vector.shape_cast %swap3A_331 : vector<1x16xi32> to vector<16xi32>
      %swap3A_333 = vector.shape_cast %add3A_329 : vector<16xi32> to vector<1x16xi32>
      tpu.vector_store %arg5[%swap3A, %swap3A_330], %swap3A_333 {strides = array<i32>} : memref<100x128xi32, #tpu.memory_space<vmem>>, vector<1x16xi32>,
      %get3A_334 = arith.index_cast %scan3A_312 : i32 to index
      %get3A_335 = arith.constant 16 : index
      %get3A_336 = tpu.vector_load %arg5[%get3A_334, %get3A_335] {strides = array<i32>} : memref<100x128xi32, #tpu.memory_space<vmem>>, vector<1x16xi32>,
      %get3A_337 = vector.shape_cast %get3A_336 : vector<1x16xi32> to vector<16xi32>
      %and3A_338 = arith.constant -65536 : i32
      %and3A_339 = vector.broadcast %and3A_338 : i32 to vector<16xi32>
      %and3A_340 = arith.andi %get3A_337, %and3A_339 : vector<16xi32>
      %and3A_341 = arith.constant 16383 : i32
      %and3A_342 = vector.broadcast %and3A_341 : i32 to vector<16xi32>
      %and3A_343 = arith.andi %get3A_337, %and3A_342 : vector<16xi32>
      %shift_left3A_344 = arith.constant 2 : i32
      %shift_left3A_345 = vector.broadcast %shift_left3A_344 : i32 to vector<16xi32>
      %shift_left3A_346 = arith.shli %and3A_343, %shift_left3A_345 : vector<16xi32>
      %add3A_347 = arith.addi %and3A_340, %shift_left3A_346 : vector<16xi32>
      %shift_right_arithmetic3A_348 = arith.constant 14 : i32
      %shift_right_arithmetic3A_349 = vector.broadcast %shift_right_arithmetic3A_348 : i32 to vector<16xi32>
      %shift_right_arithmetic3A_350 = arith.shrsi %get3A_337, %shift_right_arithmetic3A_349 : vector<16xi32>
      %and3A_351 = arith.constant 3 : i32
      %and3A_352 = vector.broadcast %and3A_351 : i32 to vector<16xi32>
      %and3A_353 = arith.andi %shift_right_arithmetic3A_350, %and3A_352 : vector<16xi32>
      %add3A_354 = arith.addi %add3A_347, %and3A_353 : vector<16xi32>
      %swap3A_355 = arith.index_cast %scan3A_312 : i32 to index
      %swap3A_356 = arith.constant 16 : index
      %swap3A_357 = tpu.vector_load %arg5[%swap3A_355, %swap3A_356] {strides = array<i32>} : memref<100x128xi32, #tpu.memory_space<vmem>>, vector<1x16xi32>,
      %swap3A_358 = vector.shape_cast %swap3A_357 : vector<1x16xi32> to vector<16xi32>
      %swap3A_359 = vector.shape_cast %add3A_354 : vector<16xi32> to vector<1x16xi32>
      tpu.vector_store %arg5[%swap3A_355, %swap3A_356], %swap3A_359 {strides = array<i32>} : memref<100x128xi32, #tpu.memory_space<vmem>>, vector<1x16xi32>,
      %get3A_360 = arith.index_cast %scan3A_312 : i32 to index
      %get3A_361 = arith.constant 32 : index
      %get3A_362 = tpu.vector_load %arg5[%get3A_360, %get3A_361] {strides = array<i32>} : memref<100x128xi32, #tpu.memory_space<vmem>>, vector<1x16xi32>,
      %get3A_363 = vector.shape_cast %get3A_362 : vector<1x16xi32> to vector<16xi32>
      %and3A_364 = arith.constant -65536 : i32
      %and3A_365 = vector.broadcast %and3A_364 : i32 to vector<16xi32>
      %and3A_366 = arith.andi %get3A_363, %and3A_365 : vector<16xi32>
      %and3A_367 = arith.constant 16383 : i32
      %and3A_368 = vector.broadcast %and3A_367 : i32 to vector<16xi32>
      %and3A_369 = arith.andi %get3A_363, %and3A_368 : vector<16xi32>
      %shift_left3A_370 = arith.constant 2 : i32
      %shift_left3A_371 = vector.broadcast %shift_left3A_370 : i32 to vector<16xi32>
      %shift_left3A_372 = arith.shli %and3A_369, %shift_left3A_371 : vector<16xi32>
      %add3A_373 = arith.addi %and3A_366, %shift_left3A_372 : vector<16xi32>
      %shift_right_arithmetic3A_374 = arith.constant 14 : i32
      %shift_right_arithmetic3A_375 = vector.broadcast %shift_right_arithmetic3A_374 : i32 to vector<16xi32>
      %shift_right_arithmetic3A_376 = arith.shrsi %get3A_363, %shift_right_arithmetic3A_375 : vector<16xi32>
      %and3A_377 = arith.constant 3 : i32
      %and3A_378 = vector.broadcast %and3A_377 : i32 to vector<16xi32>
      %and3A_379 = arith.andi %shift_right_arithmetic3A_376, %and3A_378 : vector<16xi32>
      %add3A_380 = arith.addi %add3A_373, %and3A_379 : vector<16xi32>
      %swap3A_381 = arith.index_cast %scan3A_312 : i32 to index
      %swap3A_382 = arith.constant 32 : index
      %swap3A_383 = tpu.vector_load %arg5[%swap3A_381, %swap3A_382] {strides = array<i32>} : memref<100x128xi32, #tpu.memory_space<vmem>>, vector<1x16xi32>,
      %swap3A_384 = vector.shape_cast %swap3A_383 : vector<1x16xi32> to vector<16xi32>
      %swap3A_385 = vector.shape_cast %add3A_380 : vector<16xi32> to vector<1x16xi32>
      tpu.vector_store %arg5[%swap3A_381, %swap3A_382], %swap3A_385 {strides = array<i32>} : memref<100x128xi32, #tpu.memory_space<vmem>>, vector<1x16xi32>,
      %get3A_386 = arith.index_cast %scan3A_312 : i32 to index
      %get3A_387 = arith.constant 48 : index
      %get3A_388 = tpu.vector_load %arg5[%get3A_386, %get3A_387] {strides = array<i32>} : memref<100x128xi32, #tpu.memory_space<vmem>>, vector<1x16xi32>,
      %get3A_389 = vector.shape_cast %get3A_388 : vector<1x16xi32> to vector<16xi32>
      %and3A_390 = arith.constant -65536 : i32
      %and3A_391 = vector.broadcast %and3A_390 : i32 to vector<16xi32>
      %and3A_392 = arith.andi %get3A_389, %and3A_391 : vector<16xi32>
      %and3A_393 = arith.constant 16383 : i32
      %and3A_394 = vector.broadcast %and3A_393 : i32 to vector<16xi32>
      %and3A_395 = arith.andi %get3A_389, %and3A_394 : vector<16xi32>
      %shift_left3A_396 = arith.constant 2 : i32
      %shift_left3A_397 = vector.broadcast %shift_left3A_396 : i32 to vector<16xi32>
      %shift_left3A_398 = arith.shli %and3A_395, %shift_left3A_397 : vector<16xi32>
      %add3A_399 = arith.addi %and3A_392, %shift_left3A_398 : vector<16xi32>
      %shift_right_arithmetic3A_400 = arith.constant 14 : i32
      %shift_right_arithmetic3A_401 = vector.broadcast %shift_right_arithmetic3A_400 : i32 to vector<16xi32>
      %shift_right_arithmetic3A_402 = arith.shrsi %get3A_389, %shift_right_arithmetic3A_401 : vector<16xi32>
      %and3A_403 = arith.constant 3 : i32
      %and3A_404 = vector.broadcast %and3A_403 : i32 to vector<16xi32>
      %and3A_405 = arith.andi %shift_right_arithmetic3A_402, %and3A_404 : vector<16xi32>
      %add3A_406 = arith.addi %add3A_399, %and3A_405 : vector<16xi32>
      %swap3A_407 = arith.index_cast %scan3A_312 : i32 to index
      %swap3A_408 = arith.constant 48 : index
      %swap3A_409 = tpu.vector_load %arg5[%swap3A_407, %swap3A_408] {strides = array<i32>} : memref<100x128xi32, #tpu.memory_space<vmem>>, vector<1x16xi32>,
      %swap3A_410 = vector.shape_cast %swap3A_409 : vector<1x16xi32> to vector<16xi32>
      %swap3A_411 = vector.shape_cast %add3A_406 : vector<16xi32> to vector<1x16xi32>
      tpu.vector_store %arg5[%swap3A_407, %swap3A_408], %swap3A_411 {strides = array<i32>} : memref<100x128xi32, #tpu.memory_space<vmem>>, vector<1x16xi32>,
      %get3A_412 = arith.index_cast %scan3A_312 : i32 to index
      %get3A_413 = arith.constant 64 : index
      %get3A_414 = tpu.vector_load %arg5[%get3A_412, %get3A_413] {strides = array<i32>} : memref<100x128xi32, #tpu.memory_space<vmem>>, vector<1x16xi32>,
      %get3A_415 = vector.shape_cast %get3A_414 : vector<1x16xi32> to vector<16xi32>
      %and3A_416 = arith.constant -65536 : i32
      %and3A_417 = vector.broadcast %and3A_416 : i32 to vector<16xi32>
      %and3A_418 = arith.andi %get3A_415, %and3A_417 : vector<16xi32>
      %and3A_419 = arith.constant 16383 : i32
      %and3A_420 = vector.broadcast %and3A_419 : i32 to vector<16xi32>
      %and3A_421 = arith.andi %get3A_415, %and3A_420 : vector<16xi32>
      %shift_left3A_422 = arith.constant 2 : i32
      %shift_left3A_423 = vector.broadcast %shift_left3A_422 : i32 to vector<16xi32>
      %shift_left3A_424 = arith.shli %and3A_421, %shift_left3A_423 : vector<16xi32>
      %add3A_425 = arith.addi %and3A_418, %shift_left3A_424 : vector<16xi32>
      %shift_right_arithmetic3A_426 = arith.constant 14 : i32
      %shift_right_arithmetic3A_427 = vector.broadcast %shift_right_arithmetic3A_426 : i32 to vector<16xi32>
      %shift_right_arithmetic3A_428 = arith.shrsi %get3A_415, %shift_right_arithmetic3A_427 : vector<16xi32>
      %and3A_429 = arith.constant 3 : i32
      %and3A_430 = vector.broadcast %and3A_429 : i32 to vector<16xi32>
      %and3A_431 = arith.andi %shift_right_arithmetic3A_428, %and3A_430 : vector<16xi32>
      %add3A_432 = arith.addi %add3A_425, %and3A_431 : vector<16xi32>
      %swap3A_433 = arith.index_cast %scan3A_312 : i32 to index
      %swap3A_434 = arith.constant 64 : index
      %swap3A_435 = tpu.vector_load %arg5[%swap3A_433, %swap3A_434] {strides = array<i32>} : memref<100x128xi32, #tpu.memory_space<vmem>>, vector<1x16xi32>,
      %swap3A_436 = vector.shape_cast %swap3A_435 : vector<1x16xi32> to vector<16xi32>
      %swap3A_437 = vector.shape_cast %add3A_432 : vector<16xi32> to vector<1x16xi32>
      tpu.vector_store %arg5[%swap3A_433, %swap3A_434], %swap3A_437 {strides = array<i32>} : memref<100x128xi32, #tpu.memory_space<vmem>>, vector<1x16xi32>,
      %get3A_438 = arith.index_cast %scan3A_312 : i32 to index
      %get3A_439 = arith.constant 80 : index
      %get3A_440 = tpu.vector_load %arg5[%get3A_438, %get3A_439] {strides = array<i32>} : memref<100x128xi32, #tpu.memory_space<vmem>>, vector<1x16xi32>,
      %get3A_441 = vector.shape_cast %get3A_440 : vector<1x16xi32> to vector<16xi32>
      %and3A_442 = arith.constant -65536 : i32
      %and3A_443 = vector.broadcast %and3A_442 : i32 to vector<16xi32>
      %and3A_444 = arith.andi %get3A_441, %and3A_443 : vector<16xi32>
      %and3A_445 = arith.constant 16383 : i32
      %and3A_446 = vector.broadcast %and3A_445 : i32 to vector<16xi32>
      %and3A_447 = arith.andi %get3A_441, %and3A_446 : vector<16xi32>
      %shift_left3A_448 = arith.constant 2 : i32
      %shift_left3A_449 = vector.broadcast %shift_left3A_448 : i32 to vector<16xi32>
      %shift_left3A_450 = arith.shli %and3A_447, %shift_left3A_449 : vector<16xi32>
      %add3A_451 = arith.addi %and3A_444, %shift_left3A_450 : vector<16xi32>
      %shift_right_arithmetic3A_452 = arith.constant 14 : i32
      %shift_right_arithmetic3A_453 = vector.broadcast %shift_right_arithmetic3A_452 : i32 to vector<16xi32>
      %shift_right_arithmetic3A_454 = arith.shrsi %get3A_441, %shift_right_arithmetic3A_453 : vector<16xi32>
      %and3A_455 = arith.constant 3 : i32
      %and3A_456 = vector.broadcast %and3A_455 : i32 to vector<16xi32>
      %and3A_457 = arith.andi %shift_right_arithmetic3A_454, %and3A_456 : vector<16xi32>
      %add3A_458 = arith.addi %add3A_451, %and3A_457 : vector<16xi32>
      %swap3A_459 = arith.index_cast %scan3A_312 : i32 to index
      %swap3A_460 = arith.constant 80 : index
      %swap3A_461 = tpu.vector_load %arg5[%swap3A_459, %swap3A_460] {strides = array<i32>} : memref<100x128xi32, #tpu.memory_space<vmem>>, vector<1x16xi32>,
      %swap3A_462 = vector.shape_cast %swap3A_461 : vector<1x16xi32> to vector<16xi32>
      %swap3A_463 = vector.shape_cast %add3A_458 : vector<16xi32> to vector<1x16xi32>
      tpu.vector_store %arg5[%swap3A_459, %swap3A_460], %swap3A_463 {strides = array<i32>} : memref<100x128xi32, #tpu.memory_space<vmem>>, vector<1x16xi32>,
      %get3A_464 = arith.index_cast %scan3A_312 : i32 to index
      %get3A_465 = arith.constant 96 : index
      %get3A_466 = tpu.vector_load %arg5[%get3A_464, %get3A_465] {strides = array<i32>} : memref<100x128xi32, #tpu.memory_space<vmem>>, vector<1x16xi32>,
      %get3A_467 = vector.shape_cast %get3A_466 : vector<1x16xi32> to vector<16xi32>
      %and3A_468 = arith.constant -65536 : i32
      %and3A_469 = vector.broadcast %and3A_468 : i32 to vector<16xi32>
      %and3A_470 = arith.andi %get3A_467, %and3A_469 : vector<16xi32>
      %and3A_471 = arith.constant 16383 : i32
      %and3A_472 = vector.broadcast %and3A_471 : i32 to vector<16xi32>
      %and3A_473 = arith.andi %get3A_467, %and3A_472 : vector<16xi32>
      %shift_left3A_474 = arith.constant 2 : i32
      %shift_left3A_475 = vector.broadcast %shift_left3A_474 : i32 to vector<16xi32>
      %shift_left3A_476 = arith.shli %and3A_473, %shift_left3A_475 : vector<16xi32>
      %add3A_477 = arith.addi %and3A_470, %shift_left3A_476 : vector<16xi32>
      %shift_right_arithmetic3A_478 = arith.constant 14 : i32
      %shift_right_arithmetic3A_479 = vector.broadcast %shift_right_arithmetic3A_478 : i32 to vector<16xi32>
      %shift_right_arithmetic3A_480 = arith.shrsi %get3A_467, %shift_right_arithmetic3A_479 : vector<16xi32>
      %and3A_481 = arith.constant 3 : i32
      %and3A_482 = vector.broadcast %and3A_481 : i32 to vector<16xi32>
      %and3A_483 = arith.andi %shift_right_arithmetic3A_480, %and3A_482 : vector<16xi32>
      %add3A_484 = arith.addi %add3A_477, %and3A_483 : vector<16xi32>
      %swap3A_485 = arith.index_cast %scan3A_312 : i32 to index
      %swap3A_486 = arith.constant 96 : index
      %swap3A_487 = tpu.vector_load %arg5[%swap3A_485, %swap3A_486] {strides = array<i32>} : memref<100x128xi32, #tpu.memory_space<vmem>>, vector<1x16xi32>,
      %swap3A_488 = vector.shape_cast %swap3A_487 : vector<1x16xi32> to vector<16xi32>
      %swap3A_489 = vector.shape_cast %add3A_484 : vector<16xi32> to vector<1x16xi32>
      tpu.vector_store %arg5[%swap3A_485, %swap3A_486], %swap3A_489 {strides = array<i32>} : memref<100x128xi32, #tpu.memory_space<vmem>>, vector<1x16xi32>,
      %get3A_490 = arith.index_cast %scan3A_312 : i32 to index
      %get3A_491 = arith.constant 112 : index
      %get3A_492 = tpu.vector_load %arg5[%get3A_490, %get3A_491] {strides = array<i32>} : memref<100x128xi32, #tpu.memory_space<vmem>>, vector<1x16xi32>,
      %get3A_493 = vector.shape_cast %get3A_492 : vector<1x16xi32> to vector<16xi32>
      %and3A_494 = arith.constant -65536 : i32
      %and3A_495 = vector.broadcast %and3A_494 : i32 to vector<16xi32>
      %and3A_496 = arith.andi %get3A_493, %and3A_495 : vector<16xi32>
      %and3A_497 = arith.constant 16383 : i32
      %and3A_498 = vector.broadcast %and3A_497 : i32 to vector<16xi32>
      %and3A_499 = arith.andi %get3A_493, %and3A_498 : vector<16xi32>
      %shift_left3A_500 = arith.constant 2 : i32
      %shift_left3A_501 = vector.broadcast %shift_left3A_500 : i32 to vector<16xi32>
      %shift_left3A_502 = arith.shli %and3A_499, %shift_left3A_501 : vector<16xi32>
      %add3A_503 = arith.addi %and3A_496, %shift_left3A_502 : vector<16xi32>
      %shift_right_arithmetic3A_504 = arith.constant 14 : i32
      %shift_right_arithmetic3A_505 = vector.broadcast %shift_right_arithmetic3A_504 : i32 to vector<16xi32>
      %shift_right_arithmetic3A_506 = arith.shrsi %get3A_493, %shift_right_arithmetic3A_505 : vector<16xi32>
      %and3A_507 = arith.constant 3 : i32
      %and3A_508 = vector.broadcast %and3A_507 : i32 to vector<16xi32>
      %and3A_509 = arith.andi %shift_right_arithmetic3A_506, %and3A_508 : vector<16xi32>
      %add3A_510 = arith.addi %add3A_503, %and3A_509 : vector<16xi32>
      %swap3A_511 = arith.index_cast %scan3A_312 : i32 to index
      %swap3A_512 = arith.constant 112 : index
      %swap3A_513 = tpu.vector_load %arg5[%swap3A_511, %swap3A_512] {strides = array<i32>} : memref<100x128xi32, #tpu.memory_space<vmem>>, vector<1x16xi32>,
      %swap3A_514 = vector.shape_cast %swap3A_513 : vector<1x16xi32> to vector<16xi32>
      %swap3A_515 = vector.shape_cast %add3A_510 : vector<16xi32> to vector<1x16xi32>
      tpu.vector_store %arg5[%swap3A_511, %swap3A_512], %swap3A_515 {strides = array<i32>} : memref<100x128xi32, #tpu.memory_space<vmem>>, vector<1x16xi32>,
    }
    %scan3A_7 = arith.constant 100 : i32
    %dma_start3A = arith.constant 0 : i32
    %dma_start3A_8 = arith.constant 0 : i32
    %dma_start3A_9 = tpu.memref_slice %arg5[%dma_start3A, %dma_start3A_8] : memref<100x128xi32, #tpu.memory_space<vmem>> -> memref<1x128xi32, #tpu.memory_space<vmem>>
    %dma_start3A_10 = tpu.memref_squeeze %dma_start3A_9 : memref<1x128xi32, #tpu.memory_space<vmem>> -> memref<128xi32, #tpu.memory_space<vmem>>
    %dma_start3A_11 = arith.constant 0 : i32
    %dma_start3A_12 = arith.constant 0 : i32
    %dma_start3A_13 = tpu.memref_slice %arg3[%dma_start3A_11, %dma_start3A_12] : memref<1048576x32xf32, #tpu.memory_space<hbm>> -> memref<1048576x32xf32, #tpu.memory_space<hbm>>
    tpu.enqueue_indirect_dma source(%dma_start3A_13 : memref<1048576x32xf32, #tpu.memory_space<hbm>>) target(%arg6 : memref<128x32xf32, #tpu.memory_space<vmem>>) offsets(%dma_start3A_10 : memref<128xi32, #tpu.memory_space<vmem>>) semaphore(%arg16 : memref<!tpu.dma_semaphore, #tpu.memory_space<semaphore_mem>>)
    %dma_start3A_14 = arith.constant 1 : i32
    %dma_start3A_15 = arith.constant 0 : i32
    %dma_start3A_16 = tpu.memref_slice %arg5[%dma_start3A_14, %dma_start3A_15] : memref<100x128xi32, #tpu.memory_space<vmem>> -> memref<1x128xi32, #tpu.memory_space<vmem>>
    %dma_start3A_17 = tpu.memref_squeeze %dma_start3A_16 : memref<1x128xi32, #tpu.memory_space<vmem>> -> memref<128xi32, #tpu.memory_space<vmem>>
    %dma_start3A_18 = arith.constant 0 : i32
    %dma_start3A_19 = arith.constant 0 : i32
    %dma_start3A_20 = tpu.memref_slice %arg3[%dma_start3A_18, %dma_start3A_19] : memref<1048576x32xf32, #tpu.memory_space<hbm>> -> memref<1048576x32xf32, #tpu.memory_space<hbm>>
    tpu.enqueue_indirect_dma source(%dma_start3A_20 : memref<1048576x32xf32, #tpu.memory_space<hbm>>) target(%arg7 : memref<128x32xf32, #tpu.memory_space<vmem>>) offsets(%dma_start3A_17 : memref<128xi32, #tpu.memory_space<vmem>>) semaphore(%arg17 : memref<!tpu.dma_semaphore, #tpu.memory_space<semaphore_mem>>)
    %dma_start3A_21 = arith.constant 2 : i32
    %dma_start3A_22 = arith.constant 0 : i32
    %dma_start3A_23 = tpu.memref_slice %arg5[%dma_start3A_21, %dma_start3A_22] : memref<100x128xi32, #tpu.memory_space<vmem>> -> memref<1x128xi32, #tpu.memory_space<vmem>>
    %dma_start3A_24 = tpu.memref_squeeze %dma_start3A_23 : memref<1x128xi32, #tpu.memory_space<vmem>> -> memref<128xi32, #tpu.memory_space<vmem>>
    %dma_start3A_25 = arith.constant 0 : i32
    %dma_start3A_26 = arith.constant 0 : i32
    %dma_start3A_27 = tpu.memref_slice %arg3[%dma_start3A_25, %dma_start3A_26] : memref<1048576x32xf32, #tpu.memory_space<hbm>> -> memref<1048576x32xf32, #tpu.memory_space<hbm>>
    tpu.enqueue_indirect_dma source(%dma_start3A_27 : memref<1048576x32xf32, #tpu.memory_space<hbm>>) target(%arg8 : memref<128x32xf32, #tpu.memory_space<vmem>>) offsets(%dma_start3A_24 : memref<128xi32, #tpu.memory_space<vmem>>) semaphore(%arg18 : memref<!tpu.dma_semaphore, #tpu.memory_space<semaphore_mem>>)
    %dma_start3A_28 = arith.constant 3 : i32
    %dma_start3A_29 = arith.constant 0 : i32
    %dma_start3A_30 = tpu.memref_slice %arg5[%dma_start3A_28, %dma_start3A_29] : memref<100x128xi32, #tpu.memory_space<vmem>> -> memref<1x128xi32, #tpu.memory_space<vmem>>
    %dma_start3A_31 = tpu.memref_squeeze %dma_start3A_30 : memref<1x128xi32, #tpu.memory_space<vmem>> -> memref<128xi32, #tpu.memory_space<vmem>>
    %dma_start3A_32 = arith.constant 0 : i32
    %dma_start3A_33 = arith.constant 0 : i32
    %dma_start3A_34 = tpu.memref_slice %arg3[%dma_start3A_32, %dma_start3A_33] : memref<1048576x32xf32, #tpu.memory_space<hbm>> -> memref<1048576x32xf32, #tpu.memory_space<hbm>>
    tpu.enqueue_indirect_dma source(%dma_start3A_34 : memref<1048576x32xf32, #tpu.memory_space<hbm>>) target(%arg9 : memref<128x32xf32, #tpu.memory_space<vmem>>) offsets(%dma_start3A_31 : memref<128xi32, #tpu.memory_space<vmem>>) semaphore(%arg19 : memref<!tpu.dma_semaphore, #tpu.memory_space<semaphore_mem>>)
    %dma_start3A_35 = arith.constant 4 : i32
    %dma_start3A_36 = arith.constant 0 : i32
    %dma_start3A_37 = tpu.memref_slice %arg5[%dma_start3A_35, %dma_start3A_36] : memref<100x128xi32, #tpu.memory_space<vmem>> -> memref<1x128xi32, #tpu.memory_space<vmem>>
    %dma_start3A_38 = tpu.memref_squeeze %dma_start3A_37 : memref<1x128xi32, #tpu.memory_space<vmem>> -> memref<128xi32, #tpu.memory_space<vmem>>
    %dma_start3A_39 = arith.constant 0 : i32
    %dma_start3A_40 = arith.constant 0 : i32
    %dma_start3A_41 = tpu.memref_slice %arg3[%dma_start3A_39, %dma_start3A_40] : memref<1048576x32xf32, #tpu.memory_space<hbm>> -> memref<1048576x32xf32, #tpu.memory_space<hbm>>
    tpu.enqueue_indirect_dma source(%dma_start3A_41 : memref<1048576x32xf32, #tpu.memory_space<hbm>>) target(%arg10 : memref<128x32xf32, #tpu.memory_space<vmem>>) offsets(%dma_start3A_38 : memref<128xi32, #tpu.memory_space<vmem>>) semaphore(%arg20 : memref<!tpu.dma_semaphore, #tpu.memory_space<semaphore_mem>>)
    %dma_start3A_42 = arith.constant 5 : i32
    %dma_start3A_43 = arith.constant 0 : i32
    %dma_start3A_44 = tpu.memref_slice %arg5[%dma_start3A_42, %dma_start3A_43] : memref<100x128xi32, #tpu.memory_space<vmem>> -> memref<1x128xi32, #tpu.memory_space<vmem>>
    %dma_start3A_45 = tpu.memref_squeeze %dma_start3A_44 : memref<1x128xi32, #tpu.memory_space<vmem>> -> memref<128xi32, #tpu.memory_space<vmem>>
    %dma_start3A_46 = arith.constant 0 : i32
    %dma_start3A_47 = arith.constant 0 : i32
    %dma_start3A_48 = tpu.memref_slice %arg3[%dma_start3A_46, %dma_start3A_47] : memref<1048576x32xf32, #tpu.memory_space<hbm>> -> memref<1048576x32xf32, #tpu.memory_space<hbm>>
    tpu.enqueue_indirect_dma source(%dma_start3A_48 : memref<1048576x32xf32, #tpu.memory_space<hbm>>) target(%arg11 : memref<128x32xf32, #tpu.memory_space<vmem>>) offsets(%dma_start3A_45 : memref<128xi32, #tpu.memory_space<vmem>>) semaphore(%arg21 : memref<!tpu.dma_semaphore, #tpu.memory_space<semaphore_mem>>)
    %dma_start3A_49 = arith.constant 6 : i32
    %dma_start3A_50 = arith.constant 0 : i32
    %dma_start3A_51 = tpu.memref_slice %arg5[%dma_start3A_49, %dma_start3A_50] : memref<100x128xi32, #tpu.memory_space<vmem>> -> memref<1x128xi32, #tpu.memory_space<vmem>>
    %dma_start3A_52 = tpu.memref_squeeze %dma_start3A_51 : memref<1x128xi32, #tpu.memory_space<vmem>> -> memref<128xi32, #tpu.memory_space<vmem>>
    %dma_start3A_53 = arith.constant 0 : i32
    %dma_start3A_54 = arith.constant 0 : i32
    %dma_start3A_55 = tpu.memref_slice %arg3[%dma_start3A_53, %dma_start3A_54] : memref<1048576x32xf32, #tpu.memory_space<hbm>> -> memref<1048576x32xf32, #tpu.memory_space<hbm>>
    tpu.enqueue_indirect_dma source(%dma_start3A_55 : memref<1048576x32xf32, #tpu.memory_space<hbm>>) target(%arg12 : memref<128x32xf32, #tpu.memory_space<vmem>>) offsets(%dma_start3A_52 : memref<128xi32, #tpu.memory_space<vmem>>) semaphore(%arg22 : memref<!tpu.dma_semaphore, #tpu.memory_space<semaphore_mem>>)
    %dma_start3A_56 = arith.constant 7 : i32
    %dma_start3A_57 = arith.constant 0 : i32
    %dma_start3A_58 = tpu.memref_slice %arg5[%dma_start3A_56, %dma_start3A_57] : memref<100x128xi32, #tpu.memory_space<vmem>> -> memref<1x128xi32, #tpu.memory_space<vmem>>
    %dma_start3A_59 = tpu.memref_squeeze %dma_start3A_58 : memref<1x128xi32, #tpu.memory_space<vmem>> -> memref<128xi32, #tpu.memory_space<vmem>>
    %dma_start3A_60 = arith.constant 0 : i32
    %dma_start3A_61 = arith.constant 0 : i32
    %dma_start3A_62 = tpu.memref_slice %arg3[%dma_start3A_60, %dma_start3A_61] : memref<1048576x32xf32, #tpu.memory_space<hbm>> -> memref<1048576x32xf32, #tpu.memory_space<hbm>>
    tpu.enqueue_indirect_dma source(%dma_start3A_62 : memref<1048576x32xf32, #tpu.memory_space<hbm>>) target(%arg13 : memref<128x32xf32, #tpu.memory_space<vmem>>) offsets(%dma_start3A_59 : memref<128xi32, #tpu.memory_space<vmem>>) semaphore(%arg23 : memref<!tpu.dma_semaphore, #tpu.memory_space<semaphore_mem>>)
    %dma_start3A_63 = arith.constant 8 : i32
    %dma_start3A_64 = arith.constant 0 : i32
    %dma_start3A_65 = tpu.memref_slice %arg5[%dma_start3A_63, %dma_start3A_64] : memref<100x128xi32, #tpu.memory_space<vmem>> -> memref<1x128xi32, #tpu.memory_space<vmem>>
    %dma_start3A_66 = tpu.memref_squeeze %dma_start3A_65 : memref<1x128xi32, #tpu.memory_space<vmem>> -> memref<128xi32, #tpu.memory_space<vmem>>
    %dma_start3A_67 = arith.constant 0 : i32
    %dma_start3A_68 = arith.constant 0 : i32
    %dma_start3A_69 = tpu.memref_slice %arg3[%dma_start3A_67, %dma_start3A_68] : memref<1048576x32xf32, #tpu.memory_space<hbm>> -> memref<1048576x32xf32, #tpu.memory_space<hbm>>
    tpu.enqueue_indirect_dma source(%dma_start3A_69 : memref<1048576x32xf32, #tpu.memory_space<hbm>>) target(%arg14 : memref<128x32xf32, #tpu.memory_space<vmem>>) offsets(%dma_start3A_66 : memref<128xi32, #tpu.memory_space<vmem>>) semaphore(%arg24 : memref<!tpu.dma_semaphore, #tpu.memory_space<semaphore_mem>>)
    %dma_start3A_70 = arith.constant 9 : i32
    %dma_start3A_71 = arith.constant 0 : i32
    %dma_start3A_72 = tpu.memref_slice %arg5[%dma_start3A_70, %dma_start3A_71] : memref<100x128xi32, #tpu.memory_space<vmem>> -> memref<1x128xi32, #tpu.memory_space<vmem>>
    %dma_start3A_73 = tpu.memref_squeeze %dma_start3A_72 : memref<1x128xi32, #tpu.memory_space<vmem>> -> memref<128xi32, #tpu.memory_space<vmem>>
    %dma_start3A_74 = arith.constant 0 : i32
    %dma_start3A_75 = arith.constant 0 : i32
    %dma_start3A_76 = tpu.memref_slice %arg3[%dma_start3A_74, %dma_start3A_75] : memref<1048576x32xf32, #tpu.memory_space<hbm>> -> memref<1048576x32xf32, #tpu.memory_space<hbm>>
    tpu.enqueue_indirect_dma source(%dma_start3A_76 : memref<1048576x32xf32, #tpu.memory_space<hbm>>) target(%arg15 : memref<128x32xf32, #tpu.memory_space<vmem>>) offsets(%dma_start3A_73 : memref<128xi32, #tpu.memory_space<vmem>>) semaphore(%arg25 : memref<!tpu.dma_semaphore, #tpu.memory_space<semaphore_mem>>)
    %scan3A_77 = arith.constant 0 : i32
    %scan3A_78 = arith.constant 0 : i32
    %scan3A_79 = arith.constant 9 : i32
    %scan3A_80 = arith.addi %scan3A_78, %scan3A_79 : i32
    %scan3A_81 = arith.constant 1 : i32
    scf.for %scan3A_312 = %scan3A_78 to %scan3A_80 step %scan3A_81  : i32 {
      %dma_wait3A_313 = arith.constant 0 : i32
      %dma_wait3A_314 = arith.constant 0 : i32
      %dma_wait3A_315 = tpu.memref_slice %arg5[%dma_wait3A_313, %dma_wait3A_314] : memref<100x128xi32, #tpu.memory_space<vmem>> -> memref<1x128xi32, #tpu.memory_space<vmem>>
      %dma_wait3A_316 = tpu.memref_squeeze %dma_wait3A_315 : memref<1x128xi32, #tpu.memory_space<vmem>> -> memref<128xi32, #tpu.memory_space<vmem>>
      %dma_wait3A_317 = arith.constant 0 : i32
      %dma_wait3A_318 = arith.constant 0 : i32
      %dma_wait3A_319 = tpu.memref_slice %arg3[%dma_wait3A_317, %dma_wait3A_318] : memref<1048576x32xf32, #tpu.memory_space<hbm>> -> memref<1048576x32xf32, #tpu.memory_space<hbm>>
      tpu.wait_indirect_dma semaphore(%arg16 : memref<!tpu.dma_semaphore, #tpu.memory_space<semaphore_mem>>) src(%dma_wait3A_319 : memref<1048576x32xf32, #tpu.memory_space<hbm>>) dst(%arg6 : memref<128x32xf32, #tpu.memory_space<vmem>>)
      %mul3A_320 = arith.constant 10 : i32
      %mul3A_321 = arith.muli %scan3A_312, %mul3A_320 : i32
      %add3A_322 = arith.constant 0 : i32
      %add3A_323 = arith.addi %mul3A_321, %add3A_322 : i32
      %dma_start3A_324 = arith.constant 0 : i32
      %dma_start3A_325 = tpu.memref_slice %arg4[%add3A_323, %mul3A_2, %dma_start3A_324] : memref<100x4096x32xf32, #tpu.memory_space<hbm>> -> memref<1x128x32xf32, #tpu.memory_space<hbm>>
      %dma_start3A_326 = tpu.memref_squeeze %dma_start3A_325 : memref<1x128x32xf32, #tpu.memory_space<hbm>> -> memref<128x32xf32, #tpu.memory_space<hbm>>
      %dma_start3A_327 = arith.constant 0 : i32
      %dma_start3A_328 = tpu.memref_slice %arg4[%add3A_323, %mul3A_2, %dma_start3A_327] : memref<100x4096x32xf32, #tpu.memory_space<hbm>> -> memref<1x128x32xf32, #tpu.memory_space<hbm>>
      %dma_start3A_329 = tpu.memref_squeeze %dma_start3A_328 : memref<1x128x32xf32, #tpu.memory_space<hbm>> -> memref<128x32xf32, #tpu.memory_space<hbm>>
      tpu.enqueue_dma source(%arg6 : memref<128x32xf32, #tpu.memory_space<vmem>>) target(%dma_start3A_329 : memref<128x32xf32, #tpu.memory_space<hbm>>) target_semaphore(%arg26 : memref<!tpu.dma_semaphore, #tpu.memory_space<semaphore_mem>>)
      %dma_wait3A_330 = arith.constant 0 : i32
      %dma_wait3A_331 = arith.constant 0 : i32
      %dma_wait3A_332 = tpu.memref_slice %arg5[%dma_wait3A_330, %dma_wait3A_331] : memref<100x128xi32, #tpu.memory_space<vmem>> -> memref<1x128xi32, #tpu.memory_space<vmem>>
      %dma_wait3A_333 = tpu.memref_squeeze %dma_wait3A_332 : memref<1x128xi32, #tpu.memory_space<vmem>> -> memref<128xi32, #tpu.memory_space<vmem>>
      %dma_wait3A_334 = arith.constant 0 : i32
      %dma_wait3A_335 = arith.constant 0 : i32
      %dma_wait3A_336 = tpu.memref_slice %arg3[%dma_wait3A_334, %dma_wait3A_335] : memref<1048576x32xf32, #tpu.memory_space<hbm>> -> memref<1048576x32xf32, #tpu.memory_space<hbm>>
      tpu.wait_indirect_dma semaphore(%arg17 : memref<!tpu.dma_semaphore, #tpu.memory_space<semaphore_mem>>) src(%dma_wait3A_336 : memref<1048576x32xf32, #tpu.memory_space<hbm>>) dst(%arg7 : memref<128x32xf32, #tpu.memory_space<vmem>>)
      %mul3A_337 = arith.constant 10 : i32
      %mul3A_338 = arith.muli %scan3A_312, %mul3A_337 : i32
      %add3A_339 = arith.constant 1 : i32
      %add3A_340 = arith.addi %mul3A_338, %add3A_339 : i32
      %dma_start3A_341 = arith.constant 0 : i32
      %dma_start3A_342 = tpu.memref_slice %arg4[%add3A_340, %mul3A_2, %dma_start3A_341] : memref<100x4096x32xf32, #tpu.memory_space<hbm>> -> memref<1x128x32xf32, #tpu.memory_space<hbm>>
      %dma_start3A_343 = tpu.memref_squeeze %dma_start3A_342 : memref<1x128x32xf32, #tpu.memory_space<hbm>> -> memref<128x32xf32, #tpu.memory_space<hbm>>
      %dma_start3A_344 = arith.constant 0 : i32
      %dma_start3A_345 = tpu.memref_slice %arg4[%add3A_340, %mul3A_2, %dma_start3A_344] : memref<100x4096x32xf32, #tpu.memory_space<hbm>> -> memref<1x128x32xf32, #tpu.memory_space<hbm>>
      %dma_start3A_346 = tpu.memref_squeeze %dma_start3A_345 : memref<1x128x32xf32, #tpu.memory_space<hbm>> -> memref<128x32xf32, #tpu.memory_space<hbm>>
      tpu.enqueue_dma source(%arg7 : memref<128x32xf32, #tpu.memory_space<vmem>>) target(%dma_start3A_346 : memref<128x32xf32, #tpu.memory_space<hbm>>) target_semaphore(%arg27 : memref<!tpu.dma_semaphore, #tpu.memory_space<semaphore_mem>>)
      %dma_wait3A_347 = arith.constant 0 : i32
      %dma_wait3A_348 = arith.constant 0 : i32
      %dma_wait3A_349 = tpu.memref_slice %arg5[%dma_wait3A_347, %dma_wait3A_348] : memref<100x128xi32, #tpu.memory_space<vmem>> -> memref<1x128xi32, #tpu.memory_space<vmem>>
      %dma_wait3A_350 = tpu.memref_squeeze %dma_wait3A_349 : memref<1x128xi32, #tpu.memory_space<vmem>> -> memref<128xi32, #tpu.memory_space<vmem>>
      %dma_wait3A_351 = arith.constant 0 : i32
      %dma_wait3A_352 = arith.constant 0 : i32
      %dma_wait3A_353 = tpu.memref_slice %arg3[%dma_wait3A_351, %dma_wait3A_352] : memref<1048576x32xf32, #tpu.memory_space<hbm>> -> memref<1048576x32xf32, #tpu.memory_space<hbm>>
      tpu.wait_indirect_dma semaphore(%arg18 : memref<!tpu.dma_semaphore, #tpu.memory_space<semaphore_mem>>) src(%dma_wait3A_353 : memref<1048576x32xf32, #tpu.memory_space<hbm>>) dst(%arg8 : memref<128x32xf32, #tpu.memory_space<vmem>>)
      %mul3A_354 = arith.constant 10 : i32
      %mul3A_355 = arith.muli %scan3A_312, %mul3A_354 : i32
      %add3A_356 = arith.constant 2 : i32
      %add3A_357 = arith.addi %mul3A_355, %add3A_356 : i32
      %dma_start3A_358 = arith.constant 0 : i32
      %dma_start3A_359 = tpu.memref_slice %arg4[%add3A_357, %mul3A_2, %dma_start3A_358] : memref<100x4096x32xf32, #tpu.memory_space<hbm>> -> memref<1x128x32xf32, #tpu.memory_space<hbm>>
      %dma_start3A_360 = tpu.memref_squeeze %dma_start3A_359 : memref<1x128x32xf32, #tpu.memory_space<hbm>> -> memref<128x32xf32, #tpu.memory_space<hbm>>
      %dma_start3A_361 = arith.constant 0 : i32
      %dma_start3A_362 = tpu.memref_slice %arg4[%add3A_357, %mul3A_2, %dma_start3A_361] : memref<100x4096x32xf32, #tpu.memory_space<hbm>> -> memref<1x128x32xf32, #tpu.memory_space<hbm>>
      %dma_start3A_363 = tpu.memref_squeeze %dma_start3A_362 : memref<1x128x32xf32, #tpu.memory_space<hbm>> -> memref<128x32xf32, #tpu.memory_space<hbm>>
      tpu.enqueue_dma source(%arg8 : memref<128x32xf32, #tpu.memory_space<vmem>>) target(%dma_start3A_363 : memref<128x32xf32, #tpu.memory_space<hbm>>) target_semaphore(%arg28 : memref<!tpu.dma_semaphore, #tpu.memory_space<semaphore_mem>>)
      %dma_wait3A_364 = arith.constant 0 : i32
      %dma_wait3A_365 = arith.constant 0 : i32
      %dma_wait3A_366 = tpu.memref_slice %arg5[%dma_wait3A_364, %dma_wait3A_365] : memref<100x128xi32, #tpu.memory_space<vmem>> -> memref<1x128xi32, #tpu.memory_space<vmem>>
      %dma_wait3A_367 = tpu.memref_squeeze %dma_wait3A_366 : memref<1x128xi32, #tpu.memory_space<vmem>> -> memref<128xi32, #tpu.memory_space<vmem>>
      %dma_wait3A_368 = arith.constant 0 : i32
      %dma_wait3A_369 = arith.constant 0 : i32
      %dma_wait3A_370 = tpu.memref_slice %arg3[%dma_wait3A_368, %dma_wait3A_369] : memref<1048576x32xf32, #tpu.memory_space<hbm>> -> memref<1048576x32xf32, #tpu.memory_space<hbm>>
      tpu.wait_indirect_dma semaphore(%arg19 : memref<!tpu.dma_semaphore, #tpu.memory_space<semaphore_mem>>) src(%dma_wait3A_370 : memref<1048576x32xf32, #tpu.memory_space<hbm>>) dst(%arg9 : memref<128x32xf32, #tpu.memory_space<vmem>>)
      %mul3A_371 = arith.constant 10 : i32
      %mul3A_372 = arith.muli %scan3A_312, %mul3A_371 : i32
      %add3A_373 = arith.constant 3 : i32
      %add3A_374 = arith.addi %mul3A_372, %add3A_373 : i32
      %dma_start3A_375 = arith.constant 0 : i32
      %dma_start3A_376 = tpu.memref_slice %arg4[%add3A_374, %mul3A_2, %dma_start3A_375] : memref<100x4096x32xf32, #tpu.memory_space<hbm>> -> memref<1x128x32xf32, #tpu.memory_space<hbm>>
      %dma_start3A_377 = tpu.memref_squeeze %dma_start3A_376 : memref<1x128x32xf32, #tpu.memory_space<hbm>> -> memref<128x32xf32, #tpu.memory_space<hbm>>
      %dma_start3A_378 = arith.constant 0 : i32
      %dma_start3A_379 = tpu.memref_slice %arg4[%add3A_374, %mul3A_2, %dma_start3A_378] : memref<100x4096x32xf32, #tpu.memory_space<hbm>> -> memref<1x128x32xf32, #tpu.memory_space<hbm>>
      %dma_start3A_380 = tpu.memref_squeeze %dma_start3A_379 : memref<1x128x32xf32, #tpu.memory_space<hbm>> -> memref<128x32xf32, #tpu.memory_space<hbm>>
      tpu.enqueue_dma source(%arg9 : memref<128x32xf32, #tpu.memory_space<vmem>>) target(%dma_start3A_380 : memref<128x32xf32, #tpu.memory_space<hbm>>) target_semaphore(%arg29 : memref<!tpu.dma_semaphore, #tpu.memory_space<semaphore_mem>>)
      %dma_wait3A_381 = arith.constant 0 : i32
      %dma_wait3A_382 = arith.constant 0 : i32
      %dma_wait3A_383 = tpu.memref_slice %arg5[%dma_wait3A_381, %dma_wait3A_382] : memref<100x128xi32, #tpu.memory_space<vmem>> -> memref<1x128xi32, #tpu.memory_space<vmem>>
      %dma_wait3A_384 = tpu.memref_squeeze %dma_wait3A_383 : memref<1x128xi32, #tpu.memory_space<vmem>> -> memref<128xi32, #tpu.memory_space<vmem>>
      %dma_wait3A_385 = arith.constant 0 : i32
      %dma_wait3A_386 = arith.constant 0 : i32
      %dma_wait3A_387 = tpu.memref_slice %arg3[%dma_wait3A_385, %dma_wait3A_386] : memref<1048576x32xf32, #tpu.memory_space<hbm>> -> memref<1048576x32xf32, #tpu.memory_space<hbm>>
      tpu.wait_indirect_dma semaphore(%arg20 : memref<!tpu.dma_semaphore, #tpu.memory_space<semaphore_mem>>) src(%dma_wait3A_387 : memref<1048576x32xf32, #tpu.memory_space<hbm>>) dst(%arg10 : memref<128x32xf32, #tpu.memory_space<vmem>>)
      %mul3A_388 = arith.constant 10 : i32
      %mul3A_389 = arith.muli %scan3A_312, %mul3A_388 : i32
      %add3A_390 = arith.constant 4 : i32
      %add3A_391 = arith.addi %mul3A_389, %add3A_390 : i32
      %dma_start3A_392 = arith.constant 0 : i32
      %dma_start3A_393 = tpu.memref_slice %arg4[%add3A_391, %mul3A_2, %dma_start3A_392] : memref<100x4096x32xf32, #tpu.memory_space<hbm>> -> memref<1x128x32xf32, #tpu.memory_space<hbm>>
      %dma_start3A_394 = tpu.memref_squeeze %dma_start3A_393 : memref<1x128x32xf32, #tpu.memory_space<hbm>> -> memref<128x32xf32, #tpu.memory_space<hbm>>
      %dma_start3A_395 = arith.constant 0 : i32
      %dma_start3A_396 = tpu.memref_slice %arg4[%add3A_391, %mul3A_2, %dma_start3A_395] : memref<100x4096x32xf32, #tpu.memory_space<hbm>> -> memref<1x128x32xf32, #tpu.memory_space<hbm>>
      %dma_start3A_397 = tpu.memref_squeeze %dma_start3A_396 : memref<1x128x32xf32, #tpu.memory_space<hbm>> -> memref<128x32xf32, #tpu.memory_space<hbm>>
      tpu.enqueue_dma source(%arg10 : memref<128x32xf32, #tpu.memory_space<vmem>>) target(%dma_start3A_397 : memref<128x32xf32, #tpu.memory_space<hbm>>) target_semaphore(%arg30 : memref<!tpu.dma_semaphore, #tpu.memory_space<semaphore_mem>>)
      %dma_wait3A_398 = arith.constant 0 : i32
      %dma_wait3A_399 = arith.constant 0 : i32
      %dma_wait3A_400 = tpu.memref_slice %arg5[%dma_wait3A_398, %dma_wait3A_399] : memref<100x128xi32, #tpu.memory_space<vmem>> -> memref<1x128xi32, #tpu.memory_space<vmem>>
      %dma_wait3A_401 = tpu.memref_squeeze %dma_wait3A_400 : memref<1x128xi32, #tpu.memory_space<vmem>> -> memref<128xi32, #tpu.memory_space<vmem>>
      %dma_wait3A_402 = arith.constant 0 : i32
      %dma_wait3A_403 = arith.constant 0 : i32
      %dma_wait3A_404 = tpu.memref_slice %arg3[%dma_wait3A_402, %dma_wait3A_403] : memref<1048576x32xf32, #tpu.memory_space<hbm>> -> memref<1048576x32xf32, #tpu.memory_space<hbm>>
      tpu.wait_indirect_dma semaphore(%arg21 : memref<!tpu.dma_semaphore, #tpu.memory_space<semaphore_mem>>) src(%dma_wait3A_404 : memref<1048576x32xf32, #tpu.memory_space<hbm>>) dst(%arg11 : memref<128x32xf32, #tpu.memory_space<vmem>>)
      %mul3A_405 = arith.constant 10 : i32
      %mul3A_406 = arith.muli %scan3A_312, %mul3A_405 : i32
      %add3A_407 = arith.constant 5 : i32
      %add3A_408 = arith.addi %mul3A_406, %add3A_407 : i32
      %dma_start3A_409 = arith.constant 0 : i32
      %dma_start3A_410 = tpu.memref_slice %arg4[%add3A_408, %mul3A_2, %dma_start3A_409] : memref<100x4096x32xf32, #tpu.memory_space<hbm>> -> memref<1x128x32xf32, #tpu.memory_space<hbm>>
      %dma_start3A_411 = tpu.memref_squeeze %dma_start3A_410 : memref<1x128x32xf32, #tpu.memory_space<hbm>> -> memref<128x32xf32, #tpu.memory_space<hbm>>
      %dma_start3A_412 = arith.constant 0 : i32
      %dma_start3A_413 = tpu.memref_slice %arg4[%add3A_408, %mul3A_2, %dma_start3A_412] : memref<100x4096x32xf32, #tpu.memory_space<hbm>> -> memref<1x128x32xf32, #tpu.memory_space<hbm>>
      %dma_start3A_414 = tpu.memref_squeeze %dma_start3A_413 : memref<1x128x32xf32, #tpu.memory_space<hbm>> -> memref<128x32xf32, #tpu.memory_space<hbm>>
      tpu.enqueue_dma source(%arg11 : memref<128x32xf32, #tpu.memory_space<vmem>>) target(%dma_start3A_414 : memref<128x32xf32, #tpu.memory_space<hbm>>) target_semaphore(%arg31 : memref<!tpu.dma_semaphore, #tpu.memory_space<semaphore_mem>>)
      %dma_wait3A_415 = arith.constant 0 : i32
      %dma_wait3A_416 = arith.constant 0 : i32
      %dma_wait3A_417 = tpu.memref_slice %arg5[%dma_wait3A_415, %dma_wait3A_416] : memref<100x128xi32, #tpu.memory_space<vmem>> -> memref<1x128xi32, #tpu.memory_space<vmem>>
      %dma_wait3A_418 = tpu.memref_squeeze %dma_wait3A_417 : memref<1x128xi32, #tpu.memory_space<vmem>> -> memref<128xi32, #tpu.memory_space<vmem>>
      %dma_wait3A_419 = arith.constant 0 : i32
      %dma_wait3A_420 = arith.constant 0 : i32
      %dma_wait3A_421 = tpu.memref_slice %arg3[%dma_wait3A_419, %dma_wait3A_420] : memref<1048576x32xf32, #tpu.memory_space<hbm>> -> memref<1048576x32xf32, #tpu.memory_space<hbm>>
      tpu.wait_indirect_dma semaphore(%arg22 : memref<!tpu.dma_semaphore, #tpu.memory_space<semaphore_mem>>) src(%dma_wait3A_421 : memref<1048576x32xf32, #tpu.memory_space<hbm>>) dst(%arg12 : memref<128x32xf32, #tpu.memory_space<vmem>>)
      %mul3A_422 = arith.constant 10 : i32
      %mul3A_423 = arith.muli %scan3A_312, %mul3A_422 : i32
      %add3A_424 = arith.constant 6 : i32
      %add3A_425 = arith.addi %mul3A_423, %add3A_424 : i32
      %dma_start3A_426 = arith.constant 0 : i32
      %dma_start3A_427 = tpu.memref_slice %arg4[%add3A_425, %mul3A_2, %dma_start3A_426] : memref<100x4096x32xf32, #tpu.memory_space<hbm>> -> memref<1x128x32xf32, #tpu.memory_space<hbm>>
      %dma_start3A_428 = tpu.memref_squeeze %dma_start3A_427 : memref<1x128x32xf32, #tpu.memory_space<hbm>> -> memref<128x32xf32, #tpu.memory_space<hbm>>
      %dma_start3A_429 = arith.constant 0 : i32
      %dma_start3A_430 = tpu.memref_slice %arg4[%add3A_425, %mul3A_2, %dma_start3A_429] : memref<100x4096x32xf32, #tpu.memory_space<hbm>> -> memref<1x128x32xf32, #tpu.memory_space<hbm>>
      %dma_start3A_431 = tpu.memref_squeeze %dma_start3A_430 : memref<1x128x32xf32, #tpu.memory_space<hbm>> -> memref<128x32xf32, #tpu.memory_space<hbm>>
      tpu.enqueue_dma source(%arg12 : memref<128x32xf32, #tpu.memory_space<vmem>>) target(%dma_start3A_431 : memref<128x32xf32, #tpu.memory_space<hbm>>) target_semaphore(%arg32 : memref<!tpu.dma_semaphore, #tpu.memory_space<semaphore_mem>>)
      %dma_wait3A_432 = arith.constant 0 : i32
      %dma_wait3A_433 = arith.constant 0 : i32
      %dma_wait3A_434 = tpu.memref_slice %arg5[%dma_wait3A_432, %dma_wait3A_433] : memref<100x128xi32, #tpu.memory_space<vmem>> -> memref<1x128xi32, #tpu.memory_space<vmem>>
      %dma_wait3A_435 = tpu.memref_squeeze %dma_wait3A_434 : memref<1x128xi32, #tpu.memory_space<vmem>> -> memref<128xi32, #tpu.memory_space<vmem>>
      %dma_wait3A_436 = arith.constant 0 : i32
      %dma_wait3A_437 = arith.constant 0 : i32
      %dma_wait3A_438 = tpu.memref_slice %arg3[%dma_wait3A_436, %dma_wait3A_437] : memref<1048576x32xf32, #tpu.memory_space<hbm>> -> memref<1048576x32xf32, #tpu.memory_space<hbm>>
      tpu.wait_indirect_dma semaphore(%arg23 : memref<!tpu.dma_semaphore, #tpu.memory_space<semaphore_mem>>) src(%dma_wait3A_438 : memref<1048576x32xf32, #tpu.memory_space<hbm>>) dst(%arg13 : memref<128x32xf32, #tpu.memory_space<vmem>>)
      %mul3A_439 = arith.constant 10 : i32
      %mul3A_440 = arith.muli %scan3A_312, %mul3A_439 : i32
      %add3A_441 = arith.constant 7 : i32
      %add3A_442 = arith.addi %mul3A_440, %add3A_441 : i32
      %dma_start3A_443 = arith.constant 0 : i32
      %dma_start3A_444 = tpu.memref_slice %arg4[%add3A_442, %mul3A_2, %dma_start3A_443] : memref<100x4096x32xf32, #tpu.memory_space<hbm>> -> memref<1x128x32xf32, #tpu.memory_space<hbm>>
      %dma_start3A_445 = tpu.memref_squeeze %dma_start3A_444 : memref<1x128x32xf32, #tpu.memory_space<hbm>> -> memref<128x32xf32, #tpu.memory_space<hbm>>
      %dma_start3A_446 = arith.constant 0 : i32
      %dma_start3A_447 = tpu.memref_slice %arg4[%add3A_442, %mul3A_2, %dma_start3A_446] : memref<100x4096x32xf32, #tpu.memory_space<hbm>> -> memref<1x128x32xf32, #tpu.memory_space<hbm>>
      %dma_start3A_448 = tpu.memref_squeeze %dma_start3A_447 : memref<1x128x32xf32, #tpu.memory_space<hbm>> -> memref<128x32xf32, #tpu.memory_space<hbm>>
      tpu.enqueue_dma source(%arg13 : memref<128x32xf32, #tpu.memory_space<vmem>>) target(%dma_start3A_448 : memref<128x32xf32, #tpu.memory_space<hbm>>) target_semaphore(%arg33 : memref<!tpu.dma_semaphore, #tpu.memory_space<semaphore_mem>>)
      %dma_wait3A_449 = arith.constant 0 : i32
      %dma_wait3A_450 = arith.constant 0 : i32
      %dma_wait3A_451 = tpu.memref_slice %arg5[%dma_wait3A_449, %dma_wait3A_450] : memref<100x128xi32, #tpu.memory_space<vmem>> -> memref<1x128xi32, #tpu.memory_space<vmem>>
      %dma_wait3A_452 = tpu.memref_squeeze %dma_wait3A_451 : memref<1x128xi32, #tpu.memory_space<vmem>> -> memref<128xi32, #tpu.memory_space<vmem>>
      %dma_wait3A_453 = arith.constant 0 : i32
      %dma_wait3A_454 = arith.constant 0 : i32
      %dma_wait3A_455 = tpu.memref_slice %arg3[%dma_wait3A_453, %dma_wait3A_454] : memref<1048576x32xf32, #tpu.memory_space<hbm>> -> memref<1048576x32xf32, #tpu.memory_space<hbm>>
      tpu.wait_indirect_dma semaphore(%arg24 : memref<!tpu.dma_semaphore, #tpu.memory_space<semaphore_mem>>) src(%dma_wait3A_455 : memref<1048576x32xf32, #tpu.memory_space<hbm>>) dst(%arg14 : memref<128x32xf32, #tpu.memory_space<vmem>>)
      %mul3A_456 = arith.constant 10 : i32
      %mul3A_457 = arith.muli %scan3A_312, %mul3A_456 : i32
      %add3A_458 = arith.constant 8 : i32
      %add3A_459 = arith.addi %mul3A_457, %add3A_458 : i32
      %dma_start3A_460 = arith.constant 0 : i32
      %dma_start3A_461 = tpu.memref_slice %arg4[%add3A_459, %mul3A_2, %dma_start3A_460] : memref<100x4096x32xf32, #tpu.memory_space<hbm>> -> memref<1x128x32xf32, #tpu.memory_space<hbm>>
      %dma_start3A_462 = tpu.memref_squeeze %dma_start3A_461 : memref<1x128x32xf32, #tpu.memory_space<hbm>> -> memref<128x32xf32, #tpu.memory_space<hbm>>
      %dma_start3A_463 = arith.constant 0 : i32
      %dma_start3A_464 = tpu.memref_slice %arg4[%add3A_459, %mul3A_2, %dma_start3A_463] : memref<100x4096x32xf32, #tpu.memory_space<hbm>> -> memref<1x128x32xf32, #tpu.memory_space<hbm>>
      %dma_start3A_465 = tpu.memref_squeeze %dma_start3A_464 : memref<1x128x32xf32, #tpu.memory_space<hbm>> -> memref<128x32xf32, #tpu.memory_space<hbm>>
      tpu.enqueue_dma source(%arg14 : memref<128x32xf32, #tpu.memory_space<vmem>>) target(%dma_start3A_465 : memref<128x32xf32, #tpu.memory_space<hbm>>) target_semaphore(%arg34 : memref<!tpu.dma_semaphore, #tpu.memory_space<semaphore_mem>>)
      %dma_wait3A_466 = arith.constant 0 : i32
      %dma_wait3A_467 = arith.constant 0 : i32
      %dma_wait3A_468 = tpu.memref_slice %arg5[%dma_wait3A_466, %dma_wait3A_467] : memref<100x128xi32, #tpu.memory_space<vmem>> -> memref<1x128xi32, #tpu.memory_space<vmem>>
      %dma_wait3A_469 = tpu.memref_squeeze %dma_wait3A_468 : memref<1x128xi32, #tpu.memory_space<vmem>> -> memref<128xi32, #tpu.memory_space<vmem>>
      %dma_wait3A_470 = arith.constant 0 : i32
      %dma_wait3A_471 = arith.constant 0 : i32
      %dma_wait3A_472 = tpu.memref_slice %arg3[%dma_wait3A_470, %dma_wait3A_471] : memref<1048576x32xf32, #tpu.memory_space<hbm>> -> memref<1048576x32xf32, #tpu.memory_space<hbm>>
      tpu.wait_indirect_dma semaphore(%arg25 : memref<!tpu.dma_semaphore, #tpu.memory_space<semaphore_mem>>) src(%dma_wait3A_472 : memref<1048576x32xf32, #tpu.memory_space<hbm>>) dst(%arg15 : memref<128x32xf32, #tpu.memory_space<vmem>>)
      %mul3A_473 = arith.constant 10 : i32
      %mul3A_474 = arith.muli %scan3A_312, %mul3A_473 : i32
      %add3A_475 = arith.constant 9 : i32
      %add3A_476 = arith.addi %mul3A_474, %add3A_475 : i32
      %dma_start3A_477 = arith.constant 0 : i32
      %dma_start3A_478 = tpu.memref_slice %arg4[%add3A_476, %mul3A_2, %dma_start3A_477] : memref<100x4096x32xf32, #tpu.memory_space<hbm>> -> memref<1x128x32xf32, #tpu.memory_space<hbm>>
      %dma_start3A_479 = tpu.memref_squeeze %dma_start3A_478 : memref<1x128x32xf32, #tpu.memory_space<hbm>> -> memref<128x32xf32, #tpu.memory_space<hbm>>
      %dma_start3A_480 = arith.constant 0 : i32
      %dma_start3A_481 = tpu.memref_slice %arg4[%add3A_476, %mul3A_2, %dma_start3A_480] : memref<100x4096x32xf32, #tpu.memory_space<hbm>> -> memref<1x128x32xf32, #tpu.memory_space<hbm>>
      %dma_start3A_482 = tpu.memref_squeeze %dma_start3A_481 : memref<1x128x32xf32, #tpu.memory_space<hbm>> -> memref<128x32xf32, #tpu.memory_space<hbm>>
      tpu.enqueue_dma source(%arg15 : memref<128x32xf32, #tpu.memory_space<vmem>>) target(%dma_start3A_482 : memref<128x32xf32, #tpu.memory_space<hbm>>) target_semaphore(%arg35 : memref<!tpu.dma_semaphore, #tpu.memory_space<semaphore_mem>>)
      %dma_wait3A_483 = arith.constant 0 : i32
      %dma_wait3A_484 = arith.constant 0 : i32
      %dma_wait3A_485 = arith.constant 0 : i32
      %dma_wait3A_486 = tpu.memref_slice %arg4[%dma_wait3A_483, %dma_wait3A_484, %dma_wait3A_485] : memref<100x4096x32xf32, #tpu.memory_space<hbm>> -> memref<1x128x32xf32, #tpu.memory_space<hbm>>
      %dma_wait3A_487 = tpu.memref_squeeze %dma_wait3A_486 : memref<1x128x32xf32, #tpu.memory_space<hbm>> -> memref<128x32xf32, #tpu.memory_space<hbm>>
      %dma_wait3A_488 = arith.constant 0 : i32
      %dma_wait3A_489 = arith.constant 0 : i32
      %dma_wait3A_490 = tpu.memref_slice %arg4[%dma_wait3A_483, %dma_wait3A_488, %dma_wait3A_489] : memref<100x4096x32xf32, #tpu.memory_space<hbm>> -> memref<1x128x32xf32, #tpu.memory_space<hbm>>
      %dma_wait3A_491 = tpu.memref_squeeze %dma_wait3A_490 : memref<1x128x32xf32, #tpu.memory_space<hbm>> -> memref<128x32xf32, #tpu.memory_space<hbm>>
      tpu.wait_dma2 semaphore(%arg26 : memref<!tpu.dma_semaphore, #tpu.memory_space<semaphore_mem>>) src(%arg6 : memref<128x32xf32, #tpu.memory_space<vmem>>) dst(%dma_wait3A_491 : memref<128x32xf32, #tpu.memory_space<hbm>>)
      %add3A_492 = arith.constant 1 : i32
      %add3A_493 = arith.addi %scan3A_312, %add3A_492 : i32
      %mul3A_494 = arith.constant 10 : i32
      %mul3A_495 = arith.muli %add3A_493, %mul3A_494 : i32
      %add3A_496 = arith.constant 0 : i32
      %add3A_497 = arith.addi %mul3A_495, %add3A_496 : i32
      %dma_start3A_498 = arith.constant 0 : i32
      %dma_start3A_499 = tpu.memref_slice %arg5[%add3A_497, %dma_start3A_498] : memref<100x128xi32, #tpu.memory_space<vmem>> -> memref<1x128xi32, #tpu.memory_space<vmem>>
      %dma_start3A_500 = tpu.memref_squeeze %dma_start3A_499 : memref<1x128xi32, #tpu.memory_space<vmem>> -> memref<128xi32, #tpu.memory_space<vmem>>
      %dma_start3A_501 = arith.constant 0 : i32
      %dma_start3A_502 = arith.constant 0 : i32
      %dma_start3A_503 = tpu.memref_slice %arg3[%dma_start3A_501, %dma_start3A_502] : memref<1048576x32xf32, #tpu.memory_space<hbm>> -> memref<1048576x32xf32, #tpu.memory_space<hbm>>
      tpu.enqueue_indirect_dma source(%dma_start3A_503 : memref<1048576x32xf32, #tpu.memory_space<hbm>>) target(%arg6 : memref<128x32xf32, #tpu.memory_space<vmem>>) offsets(%dma_start3A_500 : memref<128xi32, #tpu.memory_space<vmem>>) semaphore(%arg16 : memref<!tpu.dma_semaphore, #tpu.memory_space<semaphore_mem>>)
      %dma_wait3A_504 = arith.constant 0 : i32
      %dma_wait3A_505 = arith.constant 0 : i32
      %dma_wait3A_506 = arith.constant 0 : i32
      %dma_wait3A_507 = tpu.memref_slice %arg4[%dma_wait3A_504, %dma_wait3A_505, %dma_wait3A_506] : memref<100x4096x32xf32, #tpu.memory_space<hbm>> -> memref<1x128x32xf32, #tpu.memory_space<hbm>>
      %dma_wait3A_508 = tpu.memref_squeeze %dma_wait3A_507 : memref<1x128x32xf32, #tpu.memory_space<hbm>> -> memref<128x32xf32, #tpu.memory_space<hbm>>
      %dma_wait3A_509 = arith.constant 0 : i32
      %dma_wait3A_510 = arith.constant 0 : i32
      %dma_wait3A_511 = tpu.memref_slice %arg4[%dma_wait3A_504, %dma_wait3A_509, %dma_wait3A_510] : memref<100x4096x32xf32, #tpu.memory_space<hbm>> -> memref<1x128x32xf32, #tpu.memory_space<hbm>>
      %dma_wait3A_512 = tpu.memref_squeeze %dma_wait3A_511 : memref<1x128x32xf32, #tpu.memory_space<hbm>> -> memref<128x32xf32, #tpu.memory_space<hbm>>
      tpu.wait_dma2 semaphore(%arg27 : memref<!tpu.dma_semaphore, #tpu.memory_space<semaphore_mem>>) src(%arg7 : memref<128x32xf32, #tpu.memory_space<vmem>>) dst(%dma_wait3A_512 : memref<128x32xf32, #tpu.memory_space<hbm>>)
      %add3A_513 = arith.constant 1 : i32
      %add3A_514 = arith.addi %scan3A_312, %add3A_513 : i32
      %mul3A_515 = arith.constant 10 : i32
      %mul3A_516 = arith.muli %add3A_514, %mul3A_515 : i32
      %add3A_517 = arith.constant 1 : i32
      %add3A_518 = arith.addi %mul3A_516, %add3A_517 : i32
      %dma_start3A_519 = arith.constant 0 : i32
      %dma_start3A_520 = tpu.memref_slice %arg5[%add3A_518, %dma_start3A_519] : memref<100x128xi32, #tpu.memory_space<vmem>> -> memref<1x128xi32, #tpu.memory_space<vmem>>
      %dma_start3A_521 = tpu.memref_squeeze %dma_start3A_520 : memref<1x128xi32, #tpu.memory_space<vmem>> -> memref<128xi32, #tpu.memory_space<vmem>>
      %dma_start3A_522 = arith.constant 0 : i32
      %dma_start3A_523 = arith.constant 0 : i32
      %dma_start3A_524 = tpu.memref_slice %arg3[%dma_start3A_522, %dma_start3A_523] : memref<1048576x32xf32, #tpu.memory_space<hbm>> -> memref<1048576x32xf32, #tpu.memory_space<hbm>>
      tpu.enqueue_indirect_dma source(%dma_start3A_524 : memref<1048576x32xf32, #tpu.memory_space<hbm>>) target(%arg7 : memref<128x32xf32, #tpu.memory_space<vmem>>) offsets(%dma_start3A_521 : memref<128xi32, #tpu.memory_space<vmem>>) semaphore(%arg17 : memref<!tpu.dma_semaphore, #tpu.memory_space<semaphore_mem>>)
      %dma_wait3A_525 = arith.constant 0 : i32
      %dma_wait3A_526 = arith.constant 0 : i32
      %dma_wait3A_527 = arith.constant 0 : i32
      %dma_wait3A_528 = tpu.memref_slice %arg4[%dma_wait3A_525, %dma_wait3A_526, %dma_wait3A_527] : memref<100x4096x32xf32, #tpu.memory_space<hbm>> -> memref<1x128x32xf32, #tpu.memory_space<hbm>>
      %dma_wait3A_529 = tpu.memref_squeeze %dma_wait3A_528 : memref<1x128x32xf32, #tpu.memory_space<hbm>> -> memref<128x32xf32, #tpu.memory_space<hbm>>
      %dma_wait3A_530 = arith.constant 0 : i32
      %dma_wait3A_531 = arith.constant 0 : i32
      %dma_wait3A_532 = tpu.memref_slice %arg4[%dma_wait3A_525, %dma_wait3A_530, %dma_wait3A_531] : memref<100x4096x32xf32, #tpu.memory_space<hbm>> -> memref<1x128x32xf32, #tpu.memory_space<hbm>>
      %dma_wait3A_533 = tpu.memref_squeeze %dma_wait3A_532 : memref<1x128x32xf32, #tpu.memory_space<hbm>> -> memref<128x32xf32, #tpu.memory_space<hbm>>
      tpu.wait_dma2 semaphore(%arg28 : memref<!tpu.dma_semaphore, #tpu.memory_space<semaphore_mem>>) src(%arg8 : memref<128x32xf32, #tpu.memory_space<vmem>>) dst(%dma_wait3A_533 : memref<128x32xf32, #tpu.memory_space<hbm>>)
      %add3A_534 = arith.constant 1 : i32
      %add3A_535 = arith.addi %scan3A_312, %add3A_534 : i32
      %mul3A_536 = arith.constant 10 : i32
      %mul3A_537 = arith.muli %add3A_535, %mul3A_536 : i32
      %add3A_538 = arith.constant 2 : i32
      %add3A_539 = arith.addi %mul3A_537, %add3A_538 : i32
      %dma_start3A_540 = arith.constant 0 : i32
      %dma_start3A_541 = tpu.memref_slice %arg5[%add3A_539, %dma_start3A_540] : memref<100x128xi32, #tpu.memory_space<vmem>> -> memref<1x128xi32, #tpu.memory_space<vmem>>
      %dma_start3A_542 = tpu.memref_squeeze %dma_start3A_541 : memref<1x128xi32, #tpu.memory_space<vmem>> -> memref<128xi32, #tpu.memory_space<vmem>>
      %dma_start3A_543 = arith.constant 0 : i32
      %dma_start3A_544 = arith.constant 0 : i32
      %dma_start3A_545 = tpu.memref_slice %arg3[%dma_start3A_543, %dma_start3A_544] : memref<1048576x32xf32, #tpu.memory_space<hbm>> -> memref<1048576x32xf32, #tpu.memory_space<hbm>>
      tpu.enqueue_indirect_dma source(%dma_start3A_545 : memref<1048576x32xf32, #tpu.memory_space<hbm>>) target(%arg8 : memref<128x32xf32, #tpu.memory_space<vmem>>) offsets(%dma_start3A_542 : memref<128xi32, #tpu.memory_space<vmem>>) semaphore(%arg18 : memref<!tpu.dma_semaphore, #tpu.memory_space<semaphore_mem>>)
      %dma_wait3A_546 = arith.constant 0 : i32
      %dma_wait3A_547 = arith.constant 0 : i32
      %dma_wait3A_548 = arith.constant 0 : i32
      %dma_wait3A_549 = tpu.memref_slice %arg4[%dma_wait3A_546, %dma_wait3A_547, %dma_wait3A_548] : memref<100x4096x32xf32, #tpu.memory_space<hbm>> -> memref<1x128x32xf32, #tpu.memory_space<hbm>>
      %dma_wait3A_550 = tpu.memref_squeeze %dma_wait3A_549 : memref<1x128x32xf32, #tpu.memory_space<hbm>> -> memref<128x32xf32, #tpu.memory_space<hbm>>
      %dma_wait3A_551 = arith.constant 0 : i32
      %dma_wait3A_552 = arith.constant 0 : i32
      %dma_wait3A_553 = tpu.memref_slice %arg4[%dma_wait3A_546, %dma_wait3A_551, %dma_wait3A_552] : memref<100x4096x32xf32, #tpu.memory_space<hbm>> -> memref<1x128x32xf32, #tpu.memory_space<hbm>>
      %dma_wait3A_554 = tpu.memref_squeeze %dma_wait3A_553 : memref<1x128x32xf32, #tpu.memory_space<hbm>> -> memref<128x32xf32, #tpu.memory_space<hbm>>
      tpu.wait_dma2 semaphore(%arg29 : memref<!tpu.dma_semaphore, #tpu.memory_space<semaphore_mem>>) src(%arg9 : memref<128x32xf32, #tpu.memory_space<vmem>>) dst(%dma_wait3A_554 : memref<128x32xf32, #tpu.memory_space<hbm>>)
      %add3A_555 = arith.constant 1 : i32
      %add3A_556 = arith.addi %scan3A_312, %add3A_555 : i32
      %mul3A_557 = arith.constant 10 : i32
      %mul3A_558 = arith.muli %add3A_556, %mul3A_557 : i32
      %add3A_559 = arith.constant 3 : i32
      %add3A_560 = arith.addi %mul3A_558, %add3A_559 : i32
      %dma_start3A_561 = arith.constant 0 : i32
      %dma_start3A_562 = tpu.memref_slice %arg5[%add3A_560, %dma_start3A_561] : memref<100x128xi32, #tpu.memory_space<vmem>> -> memref<1x128xi32, #tpu.memory_space<vmem>>
      %dma_start3A_563 = tpu.memref_squeeze %dma_start3A_562 : memref<1x128xi32, #tpu.memory_space<vmem>> -> memref<128xi32, #tpu.memory_space<vmem>>
      %dma_start3A_564 = arith.constant 0 : i32
      %dma_start3A_565 = arith.constant 0 : i32
      %dma_start3A_566 = tpu.memref_slice %arg3[%dma_start3A_564, %dma_start3A_565] : memref<1048576x32xf32, #tpu.memory_space<hbm>> -> memref<1048576x32xf32, #tpu.memory_space<hbm>>
      tpu.enqueue_indirect_dma source(%dma_start3A_566 : memref<1048576x32xf32, #tpu.memory_space<hbm>>) target(%arg9 : memref<128x32xf32, #tpu.memory_space<vmem>>) offsets(%dma_start3A_563 : memref<128xi32, #tpu.memory_space<vmem>>) semaphore(%arg19 : memref<!tpu.dma_semaphore, #tpu.memory_space<semaphore_mem>>)
      %dma_wait3A_567 = arith.constant 0 : i32
      %dma_wait3A_568 = arith.constant 0 : i32
      %dma_wait3A_569 = arith.constant 0 : i32
      %dma_wait3A_570 = tpu.memref_slice %arg4[%dma_wait3A_567, %dma_wait3A_568, %dma_wait3A_569] : memref<100x4096x32xf32, #tpu.memory_space<hbm>> -> memref<1x128x32xf32, #tpu.memory_space<hbm>>
      %dma_wait3A_571 = tpu.memref_squeeze %dma_wait3A_570 : memref<1x128x32xf32, #tpu.memory_space<hbm>> -> memref<128x32xf32, #tpu.memory_space<hbm>>
      %dma_wait3A_572 = arith.constant 0 : i32
      %dma_wait3A_573 = arith.constant 0 : i32
      %dma_wait3A_574 = tpu.memref_slice %arg4[%dma_wait3A_567, %dma_wait3A_572, %dma_wait3A_573] : memref<100x4096x32xf32, #tpu.memory_space<hbm>> -> memref<1x128x32xf32, #tpu.memory_space<hbm>>
      %dma_wait3A_575 = tpu.memref_squeeze %dma_wait3A_574 : memref<1x128x32xf32, #tpu.memory_space<hbm>> -> memref<128x32xf32, #tpu.memory_space<hbm>>
      tpu.wait_dma2 semaphore(%arg30 : memref<!tpu.dma_semaphore, #tpu.memory_space<semaphore_mem>>) src(%arg10 : memref<128x32xf32, #tpu.memory_space<vmem>>) dst(%dma_wait3A_575 : memref<128x32xf32, #tpu.memory_space<hbm>>)
      %add3A_576 = arith.constant 1 : i32
      %add3A_577 = arith.addi %scan3A_312, %add3A_576 : i32
      %mul3A_578 = arith.constant 10 : i32
      %mul3A_579 = arith.muli %add3A_577, %mul3A_578 : i32
      %add3A_580 = arith.constant 4 : i32
      %add3A_581 = arith.addi %mul3A_579, %add3A_580 : i32
      %dma_start3A_582 = arith.constant 0 : i32
      %dma_start3A_583 = tpu.memref_slice %arg5[%add3A_581, %dma_start3A_582] : memref<100x128xi32, #tpu.memory_space<vmem>> -> memref<1x128xi32, #tpu.memory_space<vmem>>
      %dma_start3A_584 = tpu.memref_squeeze %dma_start3A_583 : memref<1x128xi32, #tpu.memory_space<vmem>> -> memref<128xi32, #tpu.memory_space<vmem>>
      %dma_start3A_585 = arith.constant 0 : i32
      %dma_start3A_586 = arith.constant 0 : i32
      %dma_start3A_587 = tpu.memref_slice %arg3[%dma_start3A_585, %dma_start3A_586] : memref<1048576x32xf32, #tpu.memory_space<hbm>> -> memref<1048576x32xf32, #tpu.memory_space<hbm>>
      tpu.enqueue_indirect_dma source(%dma_start3A_587 : memref<1048576x32xf32, #tpu.memory_space<hbm>>) target(%arg10 : memref<128x32xf32, #tpu.memory_space<vmem>>) offsets(%dma_start3A_584 : memref<128xi32, #tpu.memory_space<vmem>>) semaphore(%arg20 : memref<!tpu.dma_semaphore, #tpu.memory_space<semaphore_mem>>)
      %dma_wait3A_588 = arith.constant 0 : i32
      %dma_wait3A_589 = arith.constant 0 : i32
      %dma_wait3A_590 = arith.constant 0 : i32
      %dma_wait3A_591 = tpu.memref_slice %arg4[%dma_wait3A_588, %dma_wait3A_589, %dma_wait3A_590] : memref<100x4096x32xf32, #tpu.memory_space<hbm>> -> memref<1x128x32xf32, #tpu.memory_space<hbm>>
      %dma_wait3A_592 = tpu.memref_squeeze %dma_wait3A_591 : memref<1x128x32xf32, #tpu.memory_space<hbm>> -> memref<128x32xf32, #tpu.memory_space<hbm>>
      %dma_wait3A_593 = arith.constant 0 : i32
      %dma_wait3A_594 = arith.constant 0 : i32
      %dma_wait3A_595 = tpu.memref_slice %arg4[%dma_wait3A_588, %dma_wait3A_593, %dma_wait3A_594] : memref<100x4096x32xf32, #tpu.memory_space<hbm>> -> memref<1x128x32xf32, #tpu.memory_space<hbm>>
      %dma_wait3A_596 = tpu.memref_squeeze %dma_wait3A_595 : memref<1x128x32xf32, #tpu.memory_space<hbm>> -> memref<128x32xf32, #tpu.memory_space<hbm>>
      tpu.wait_dma2 semaphore(%arg31 : memref<!tpu.dma_semaphore, #tpu.memory_space<semaphore_mem>>) src(%arg11 : memref<128x32xf32, #tpu.memory_space<vmem>>) dst(%dma_wait3A_596 : memref<128x32xf32, #tpu.memory_space<hbm>>)
      %add3A_597 = arith.constant 1 : i32
      %add3A_598 = arith.addi %scan3A_312, %add3A_597 : i32
      %mul3A_599 = arith.constant 10 : i32
      %mul3A_600 = arith.muli %add3A_598, %mul3A_599 : i32
      %add3A_601 = arith.constant 5 : i32
      %add3A_602 = arith.addi %mul3A_600, %add3A_601 : i32
      %dma_start3A_603 = arith.constant 0 : i32
      %dma_start3A_604 = tpu.memref_slice %arg5[%add3A_602, %dma_start3A_603] : memref<100x128xi32, #tpu.memory_space<vmem>> -> memref<1x128xi32, #tpu.memory_space<vmem>>
      %dma_start3A_605 = tpu.memref_squeeze %dma_start3A_604 : memref<1x128xi32, #tpu.memory_space<vmem>> -> memref<128xi32, #tpu.memory_space<vmem>>
      %dma_start3A_606 = arith.constant 0 : i32
      %dma_start3A_607 = arith.constant 0 : i32
      %dma_start3A_608 = tpu.memref_slice %arg3[%dma_start3A_606, %dma_start3A_607] : memref<1048576x32xf32, #tpu.memory_space<hbm>> -> memref<1048576x32xf32, #tpu.memory_space<hbm>>
      tpu.enqueue_indirect_dma source(%dma_start3A_608 : memref<1048576x32xf32, #tpu.memory_space<hbm>>) target(%arg11 : memref<128x32xf32, #tpu.memory_space<vmem>>) offsets(%dma_start3A_605 : memref<128xi32, #tpu.memory_space<vmem>>) semaphore(%arg21 : memref<!tpu.dma_semaphore, #tpu.memory_space<semaphore_mem>>)
      %dma_wait3A_609 = arith.constant 0 : i32
      %dma_wait3A_610 = arith.constant 0 : i32
      %dma_wait3A_611 = arith.constant 0 : i32
      %dma_wait3A_612 = tpu.memref_slice %arg4[%dma_wait3A_609, %dma_wait3A_610, %dma_wait3A_611] : memref<100x4096x32xf32, #tpu.memory_space<hbm>> -> memref<1x128x32xf32, #tpu.memory_space<hbm>>
      %dma_wait3A_613 = tpu.memref_squeeze %dma_wait3A_612 : memref<1x128x32xf32, #tpu.memory_space<hbm>> -> memref<128x32xf32, #tpu.memory_space<hbm>>
      %dma_wait3A_614 = arith.constant 0 : i32
      %dma_wait3A_615 = arith.constant 0 : i32
      %dma_wait3A_616 = tpu.memref_slice %arg4[%dma_wait3A_609, %dma_wait3A_614, %dma_wait3A_615] : memref<100x4096x32xf32, #tpu.memory_space<hbm>> -> memref<1x128x32xf32, #tpu.memory_space<hbm>>
      %dma_wait3A_617 = tpu.memref_squeeze %dma_wait3A_616 : memref<1x128x32xf32, #tpu.memory_space<hbm>> -> memref<128x32xf32, #tpu.memory_space<hbm>>
      tpu.wait_dma2 semaphore(%arg32 : memref<!tpu.dma_semaphore, #tpu.memory_space<semaphore_mem>>) src(%arg12 : memref<128x32xf32, #tpu.memory_space<vmem>>) dst(%dma_wait3A_617 : memref<128x32xf32, #tpu.memory_space<hbm>>)
      %add3A_618 = arith.constant 1 : i32
      %add3A_619 = arith.addi %scan3A_312, %add3A_618 : i32
      %mul3A_620 = arith.constant 10 : i32
      %mul3A_621 = arith.muli %add3A_619, %mul3A_620 : i32
      %add3A_622 = arith.constant 6 : i32
      %add3A_623 = arith.addi %mul3A_621, %add3A_622 : i32
      %dma_start3A_624 = arith.constant 0 : i32
      %dma_start3A_625 = tpu.memref_slice %arg5[%add3A_623, %dma_start3A_624] : memref<100x128xi32, #tpu.memory_space<vmem>> -> memref<1x128xi32, #tpu.memory_space<vmem>>
      %dma_start3A_626 = tpu.memref_squeeze %dma_start3A_625 : memref<1x128xi32, #tpu.memory_space<vmem>> -> memref<128xi32, #tpu.memory_space<vmem>>
      %dma_start3A_627 = arith.constant 0 : i32
      %dma_start3A_628 = arith.constant 0 : i32
      %dma_start3A_629 = tpu.memref_slice %arg3[%dma_start3A_627, %dma_start3A_628] : memref<1048576x32xf32, #tpu.memory_space<hbm>> -> memref<1048576x32xf32, #tpu.memory_space<hbm>>
      tpu.enqueue_indirect_dma source(%dma_start3A_629 : memref<1048576x32xf32, #tpu.memory_space<hbm>>) target(%arg12 : memref<128x32xf32, #tpu.memory_space<vmem>>) offsets(%dma_start3A_626 : memref<128xi32, #tpu.memory_space<vmem>>) semaphore(%arg22 : memref<!tpu.dma_semaphore, #tpu.memory_space<semaphore_mem>>)
      %dma_wait3A_630 = arith.constant 0 : i32
      %dma_wait3A_631 = arith.constant 0 : i32
      %dma_wait3A_632 = arith.constant 0 : i32
      %dma_wait3A_633 = tpu.memref_slice %arg4[%dma_wait3A_630, %dma_wait3A_631, %dma_wait3A_632] : memref<100x4096x32xf32, #tpu.memory_space<hbm>> -> memref<1x128x32xf32, #tpu.memory_space<hbm>>
      %dma_wait3A_634 = tpu.memref_squeeze %dma_wait3A_633 : memref<1x128x32xf32, #tpu.memory_space<hbm>> -> memref<128x32xf32, #tpu.memory_space<hbm>>
      %dma_wait3A_635 = arith.constant 0 : i32
      %dma_wait3A_636 = arith.constant 0 : i32
      %dma_wait3A_637 = tpu.memref_slice %arg4[%dma_wait3A_630, %dma_wait3A_635, %dma_wait3A_636] : memref<100x4096x32xf32, #tpu.memory_space<hbm>> -> memref<1x128x32xf32, #tpu.memory_space<hbm>>
      %dma_wait3A_638 = tpu.memref_squeeze %dma_wait3A_637 : memref<1x128x32xf32, #tpu.memory_space<hbm>> -> memref<128x32xf32, #tpu.memory_space<hbm>>
      tpu.wait_dma2 semaphore(%arg33 : memref<!tpu.dma_semaphore, #tpu.memory_space<semaphore_mem>>) src(%arg13 : memref<128x32xf32, #tpu.memory_space<vmem>>) dst(%dma_wait3A_638 : memref<128x32xf32, #tpu.memory_space<hbm>>)
      %add3A_639 = arith.constant 1 : i32
      %add3A_640 = arith.addi %scan3A_312, %add3A_639 : i32
      %mul3A_641 = arith.constant 10 : i32
      %mul3A_642 = arith.muli %add3A_640, %mul3A_641 : i32
      %add3A_643 = arith.constant 7 : i32
      %add3A_644 = arith.addi %mul3A_642, %add3A_643 : i32
      %dma_start3A_645 = arith.constant 0 : i32
      %dma_start3A_646 = tpu.memref_slice %arg5[%add3A_644, %dma_start3A_645] : memref<100x128xi32, #tpu.memory_space<vmem>> -> memref<1x128xi32, #tpu.memory_space<vmem>>
      %dma_start3A_647 = tpu.memref_squeeze %dma_start3A_646 : memref<1x128xi32, #tpu.memory_space<vmem>> -> memref<128xi32, #tpu.memory_space<vmem>>
      %dma_start3A_648 = arith.constant 0 : i32
      %dma_start3A_649 = arith.constant 0 : i32
      %dma_start3A_650 = tpu.memref_slice %arg3[%dma_start3A_648, %dma_start3A_649] : memref<1048576x32xf32, #tpu.memory_space<hbm>> -> memref<1048576x32xf32, #tpu.memory_space<hbm>>
      tpu.enqueue_indirect_dma source(%dma_start3A_650 : memref<1048576x32xf32, #tpu.memory_space<hbm>>) target(%arg13 : memref<128x32xf32, #tpu.memory_space<vmem>>) offsets(%dma_start3A_647 : memref<128xi32, #tpu.memory_space<vmem>>) semaphore(%arg23 : memref<!tpu.dma_semaphore, #tpu.memory_space<semaphore_mem>>)
      %dma_wait3A_651 = arith.constant 0 : i32
      %dma_wait3A_652 = arith.constant 0 : i32
      %dma_wait3A_653 = arith.constant 0 : i32
      %dma_wait3A_654 = tpu.memref_slice %arg4[%dma_wait3A_651, %dma_wait3A_652, %dma_wait3A_653] : memref<100x4096x32xf32, #tpu.memory_space<hbm>> -> memref<1x128x32xf32, #tpu.memory_space<hbm>>
      %dma_wait3A_655 = tpu.memref_squeeze %dma_wait3A_654 : memref<1x128x32xf32, #tpu.memory_space<hbm>> -> memref<128x32xf32, #tpu.memory_space<hbm>>
      %dma_wait3A_656 = arith.constant 0 : i32
      %dma_wait3A_657 = arith.constant 0 : i32
      %dma_wait3A_658 = tpu.memref_slice %arg4[%dma_wait3A_651, %dma_wait3A_656, %dma_wait3A_657] : memref<100x4096x32xf32, #tpu.memory_space<hbm>> -> memref<1x128x32xf32, #tpu.memory_space<hbm>>
      %dma_wait3A_659 = tpu.memref_squeeze %dma_wait3A_658 : memref<1x128x32xf32, #tpu.memory_space<hbm>> -> memref<128x32xf32, #tpu.memory_space<hbm>>
      tpu.wait_dma2 semaphore(%arg34 : memref<!tpu.dma_semaphore, #tpu.memory_space<semaphore_mem>>) src(%arg14 : memref<128x32xf32, #tpu.memory_space<vmem>>) dst(%dma_wait3A_659 : memref<128x32xf32, #tpu.memory_space<hbm>>)
      %add3A_660 = arith.constant 1 : i32
      %add3A_661 = arith.addi %scan3A_312, %add3A_660 : i32
      %mul3A_662 = arith.constant 10 : i32
      %mul3A_663 = arith.muli %add3A_661, %mul3A_662 : i32
      %add3A_664 = arith.constant 8 : i32
      %add3A_665 = arith.addi %mul3A_663, %add3A_664 : i32
      %dma_start3A_666 = arith.constant 0 : i32
      %dma_start3A_667 = tpu.memref_slice %arg5[%add3A_665, %dma_start3A_666] : memref<100x128xi32, #tpu.memory_space<vmem>> -> memref<1x128xi32, #tpu.memory_space<vmem>>
      %dma_start3A_668 = tpu.memref_squeeze %dma_start3A_667 : memref<1x128xi32, #tpu.memory_space<vmem>> -> memref<128xi32, #tpu.memory_space<vmem>>
      %dma_start3A_669 = arith.constant 0 : i32
      %dma_start3A_670 = arith.constant 0 : i32
      %dma_start3A_671 = tpu.memref_slice %arg3[%dma_start3A_669, %dma_start3A_670] : memref<1048576x32xf32, #tpu.memory_space<hbm>> -> memref<1048576x32xf32, #tpu.memory_space<hbm>>
      tpu.enqueue_indirect_dma source(%dma_start3A_671 : memref<1048576x32xf32, #tpu.memory_space<hbm>>) target(%arg14 : memref<128x32xf32, #tpu.memory_space<vmem>>) offsets(%dma_start3A_668 : memref<128xi32, #tpu.memory_space<vmem>>) semaphore(%arg24 : memref<!tpu.dma_semaphore, #tpu.memory_space<semaphore_mem>>)
      %dma_wait3A_672 = arith.constant 0 : i32
      %dma_wait3A_673 = arith.constant 0 : i32
      %dma_wait3A_674 = arith.constant 0 : i32
      %dma_wait3A_675 = tpu.memref_slice %arg4[%dma_wait3A_672, %dma_wait3A_673, %dma_wait3A_674] : memref<100x4096x32xf32, #tpu.memory_space<hbm>> -> memref<1x128x32xf32, #tpu.memory_space<hbm>>
      %dma_wait3A_676 = tpu.memref_squeeze %dma_wait3A_675 : memref<1x128x32xf32, #tpu.memory_space<hbm>> -> memref<128x32xf32, #tpu.memory_space<hbm>>
      %dma_wait3A_677 = arith.constant 0 : i32
      %dma_wait3A_678 = arith.constant 0 : i32
      %dma_wait3A_679 = tpu.memref_slice %arg4[%dma_wait3A_672, %dma_wait3A_677, %dma_wait3A_678] : memref<100x4096x32xf32, #tpu.memory_space<hbm>> -> memref<1x128x32xf32, #tpu.memory_space<hbm>>
      %dma_wait3A_680 = tpu.memref_squeeze %dma_wait3A_679 : memref<1x128x32xf32, #tpu.memory_space<hbm>> -> memref<128x32xf32, #tpu.memory_space<hbm>>
      tpu.wait_dma2 semaphore(%arg35 : memref<!tpu.dma_semaphore, #tpu.memory_space<semaphore_mem>>) src(%arg15 : memref<128x32xf32, #tpu.memory_space<vmem>>) dst(%dma_wait3A_680 : memref<128x32xf32, #tpu.memory_space<hbm>>)
      %add3A_681 = arith.constant 1 : i32
      %add3A_682 = arith.addi %scan3A_312, %add3A_681 : i32
      %mul3A_683 = arith.constant 10 : i32
      %mul3A_684 = arith.muli %add3A_682, %mul3A_683 : i32
      %add3A_685 = arith.constant 9 : i32
      %add3A_686 = arith.addi %mul3A_684, %add3A_685 : i32
      %dma_start3A_687 = arith.constant 0 : i32
      %dma_start3A_688 = tpu.memref_slice %arg5[%add3A_686, %dma_start3A_687] : memref<100x128xi32, #tpu.memory_space<vmem>> -> memref<1x128xi32, #tpu.memory_space<vmem>>
      %dma_start3A_689 = tpu.memref_squeeze %dma_start3A_688 : memref<1x128xi32, #tpu.memory_space<vmem>> -> memref<128xi32, #tpu.memory_space<vmem>>
      %dma_start3A_690 = arith.constant 0 : i32
      %dma_start3A_691 = arith.constant 0 : i32
      %dma_start3A_692 = tpu.memref_slice %arg3[%dma_start3A_690, %dma_start3A_691] : memref<1048576x32xf32, #tpu.memory_space<hbm>> -> memref<1048576x32xf32, #tpu.memory_space<hbm>>
      tpu.enqueue_indirect_dma source(%dma_start3A_692 : memref<1048576x32xf32, #tpu.memory_space<hbm>>) target(%arg15 : memref<128x32xf32, #tpu.memory_space<vmem>>) offsets(%dma_start3A_689 : memref<128xi32, #tpu.memory_space<vmem>>) semaphore(%arg25 : memref<!tpu.dma_semaphore, #tpu.memory_space<semaphore_mem>>)
    }
    %scan3A_82 = arith.constant 9 : i32
    %dma_wait3A = arith.constant 0 : i32
    %dma_wait3A_83 = arith.constant 0 : i32
    %dma_wait3A_84 = tpu.memref_slice %arg5[%dma_wait3A, %dma_wait3A_83] : memref<100x128xi32, #tpu.memory_space<vmem>> -> memref<1x128xi32, #tpu.memory_space<vmem>>
    %dma_wait3A_85 = tpu.memref_squeeze %dma_wait3A_84 : memref<1x128xi32, #tpu.memory_space<vmem>> -> memref<128xi32, #tpu.memory_space<vmem>>
    %dma_wait3A_86 = arith.constant 0 : i32
    %dma_wait3A_87 = arith.constant 0 : i32
    %dma_wait3A_88 = tpu.memref_slice %arg3[%dma_wait3A_86, %dma_wait3A_87] : memref<1048576x32xf32, #tpu.memory_space<hbm>> -> memref<1048576x32xf32, #tpu.memory_space<hbm>>
    tpu.wait_indirect_dma semaphore(%arg16 : memref<!tpu.dma_semaphore, #tpu.memory_space<semaphore_mem>>) src(%dma_wait3A_88 : memref<1048576x32xf32, #tpu.memory_space<hbm>>) dst(%arg6 : memref<128x32xf32, #tpu.memory_space<vmem>>)
    %dma_start3A_89 = arith.constant 90 : i32
    %dma_start3A_90 = arith.constant 0 : i32
    %dma_start3A_91 = tpu.memref_slice %arg4[%dma_start3A_89, %mul3A_2, %dma_start3A_90] : memref<100x4096x32xf32, #tpu.memory_space<hbm>> -> memref<1x128x32xf32, #tpu.memory_space<hbm>>
    %dma_start3A_92 = tpu.memref_squeeze %dma_start3A_91 : memref<1x128x32xf32, #tpu.memory_space<hbm>> -> memref<128x32xf32, #tpu.memory_space<hbm>>
    %dma_start3A_93 = arith.constant 0 : i32
    %dma_start3A_94 = tpu.memref_slice %arg4[%dma_start3A_89, %mul3A_2, %dma_start3A_93] : memref<100x4096x32xf32, #tpu.memory_space<hbm>> -> memref<1x128x32xf32, #tpu.memory_space<hbm>>
    %dma_start3A_95 = tpu.memref_squeeze %dma_start3A_94 : memref<1x128x32xf32, #tpu.memory_space<hbm>> -> memref<128x32xf32, #tpu.memory_space<hbm>>
    tpu.enqueue_dma source(%arg6 : memref<128x32xf32, #tpu.memory_space<vmem>>) target(%dma_start3A_95 : memref<128x32xf32, #tpu.memory_space<hbm>>) target_semaphore(%arg26 : memref<!tpu.dma_semaphore, #tpu.memory_space<semaphore_mem>>)
    %dma_wait3A_96 = arith.constant 0 : i32
    %dma_wait3A_97 = arith.constant 0 : i32
    %dma_wait3A_98 = tpu.memref_slice %arg5[%dma_wait3A_96, %dma_wait3A_97] : memref<100x128xi32, #tpu.memory_space<vmem>> -> memref<1x128xi32, #tpu.memory_space<vmem>>
    %dma_wait3A_99 = tpu.memref_squeeze %dma_wait3A_98 : memref<1x128xi32, #tpu.memory_space<vmem>> -> memref<128xi32, #tpu.memory_space<vmem>>
    %dma_wait3A_100 = arith.constant 0 : i32
    %dma_wait3A_101 = arith.constant 0 : i32
    %dma_wait3A_102 = tpu.memref_slice %arg3[%dma_wait3A_100, %dma_wait3A_101] : memref<1048576x32xf32, #tpu.memory_space<hbm>> -> memref<1048576x32xf32, #tpu.memory_space<hbm>>
    tpu.wait_indirect_dma semaphore(%arg17 : memref<!tpu.dma_semaphore, #tpu.memory_space<semaphore_mem>>) src(%dma_wait3A_102 : memref<1048576x32xf32, #tpu.memory_space<hbm>>) dst(%arg7 : memref<128x32xf32, #tpu.memory_space<vmem>>)
    %dma_start3A_103 = arith.constant 91 : i32
    %dma_start3A_104 = arith.constant 0 : i32
    %dma_start3A_105 = tpu.memref_slice %arg4[%dma_start3A_103, %mul3A_2, %dma_start3A_104] : memref<100x4096x32xf32, #tpu.memory_space<hbm>> -> memref<1x128x32xf32, #tpu.memory_space<hbm>>
    %dma_start3A_106 = tpu.memref_squeeze %dma_start3A_105 : memref<1x128x32xf32, #tpu.memory_space<hbm>> -> memref<128x32xf32, #tpu.memory_space<hbm>>
    %dma_start3A_107 = arith.constant 0 : i32
    %dma_start3A_108 = tpu.memref_slice %arg4[%dma_start3A_103, %mul3A_2, %dma_start3A_107] : memref<100x4096x32xf32, #tpu.memory_space<hbm>> -> memref<1x128x32xf32, #tpu.memory_space<hbm>>
    %dma_start3A_109 = tpu.memref_squeeze %dma_start3A_108 : memref<1x128x32xf32, #tpu.memory_space<hbm>> -> memref<128x32xf32, #tpu.memory_space<hbm>>
    tpu.enqueue_dma source(%arg7 : memref<128x32xf32, #tpu.memory_space<vmem>>) target(%dma_start3A_109 : memref<128x32xf32, #tpu.memory_space<hbm>>) target_semaphore(%arg27 : memref<!tpu.dma_semaphore, #tpu.memory_space<semaphore_mem>>)
    %dma_wait3A_110 = arith.constant 0 : i32
    %dma_wait3A_111 = arith.constant 0 : i32
    %dma_wait3A_112 = tpu.memref_slice %arg5[%dma_wait3A_110, %dma_wait3A_111] : memref<100x128xi32, #tpu.memory_space<vmem>> -> memref<1x128xi32, #tpu.memory_space<vmem>>
    %dma_wait3A_113 = tpu.memref_squeeze %dma_wait3A_112 : memref<1x128xi32, #tpu.memory_space<vmem>> -> memref<128xi32, #tpu.memory_space<vmem>>
    %dma_wait3A_114 = arith.constant 0 : i32
    %dma_wait3A_115 = arith.constant 0 : i32
    %dma_wait3A_116 = tpu.memref_slice %arg3[%dma_wait3A_114, %dma_wait3A_115] : memref<1048576x32xf32, #tpu.memory_space<hbm>> -> memref<1048576x32xf32, #tpu.memory_space<hbm>>
    tpu.wait_indirect_dma semaphore(%arg18 : memref<!tpu.dma_semaphore, #tpu.memory_space<semaphore_mem>>) src(%dma_wait3A_116 : memref<1048576x32xf32, #tpu.memory_space<hbm>>) dst(%arg8 : memref<128x32xf32, #tpu.memory_space<vmem>>)
    %dma_start3A_117 = arith.constant 92 : i32
    %dma_start3A_118 = arith.constant 0 : i32
    %dma_start3A_119 = tpu.memref_slice %arg4[%dma_start3A_117, %mul3A_2, %dma_start3A_118] : memref<100x4096x32xf32, #tpu.memory_space<hbm>> -> memref<1x128x32xf32, #tpu.memory_space<hbm>>
    %dma_start3A_120 = tpu.memref_squeeze %dma_start3A_119 : memref<1x128x32xf32, #tpu.memory_space<hbm>> -> memref<128x32xf32, #tpu.memory_space<hbm>>
    %dma_start3A_121 = arith.constant 0 : i32
    %dma_start3A_122 = tpu.memref_slice %arg4[%dma_start3A_117, %mul3A_2, %dma_start3A_121] : memref<100x4096x32xf32, #tpu.memory_space<hbm>> -> memref<1x128x32xf32, #tpu.memory_space<hbm>>
    %dma_start3A_123 = tpu.memref_squeeze %dma_start3A_122 : memref<1x128x32xf32, #tpu.memory_space<hbm>> -> memref<128x32xf32, #tpu.memory_space<hbm>>
    tpu.enqueue_dma source(%arg8 : memref<128x32xf32, #tpu.memory_space<vmem>>) target(%dma_start3A_123 : memref<128x32xf32, #tpu.memory_space<hbm>>) target_semaphore(%arg28 : memref<!tpu.dma_semaphore, #tpu.memory_space<semaphore_mem>>)
    %dma_wait3A_124 = arith.constant 0 : i32
    %dma_wait3A_125 = arith.constant 0 : i32
    %dma_wait3A_126 = tpu.memref_slice %arg5[%dma_wait3A_124, %dma_wait3A_125] : memref<100x128xi32, #tpu.memory_space<vmem>> -> memref<1x128xi32, #tpu.memory_space<vmem>>
    %dma_wait3A_127 = tpu.memref_squeeze %dma_wait3A_126 : memref<1x128xi32, #tpu.memory_space<vmem>> -> memref<128xi32, #tpu.memory_space<vmem>>
    %dma_wait3A_128 = arith.constant 0 : i32
    %dma_wait3A_129 = arith.constant 0 : i32
    %dma_wait3A_130 = tpu.memref_slice %arg3[%dma_wait3A_128, %dma_wait3A_129] : memref<1048576x32xf32, #tpu.memory_space<hbm>> -> memref<1048576x32xf32, #tpu.memory_space<hbm>>
    tpu.wait_indirect_dma semaphore(%arg19 : memref<!tpu.dma_semaphore, #tpu.memory_space<semaphore_mem>>) src(%dma_wait3A_130 : memref<1048576x32xf32, #tpu.memory_space<hbm>>) dst(%arg9 : memref<128x32xf32, #tpu.memory_space<vmem>>)
    %dma_start3A_131 = arith.constant 93 : i32
    %dma_start3A_132 = arith.constant 0 : i32
    %dma_start3A_133 = tpu.memref_slice %arg4[%dma_start3A_131, %mul3A_2, %dma_start3A_132] : memref<100x4096x32xf32, #tpu.memory_space<hbm>> -> memref<1x128x32xf32, #tpu.memory_space<hbm>>
    %dma_start3A_134 = tpu.memref_squeeze %dma_start3A_133 : memref<1x128x32xf32, #tpu.memory_space<hbm>> -> memref<128x32xf32, #tpu.memory_space<hbm>>
    %dma_start3A_135 = arith.constant 0 : i32
    %dma_start3A_136 = tpu.memref_slice %arg4[%dma_start3A_131, %mul3A_2, %dma_start3A_135] : memref<100x4096x32xf32, #tpu.memory_space<hbm>> -> memref<1x128x32xf32, #tpu.memory_space<hbm>>
    %dma_start3A_137 = tpu.memref_squeeze %dma_start3A_136 : memref<1x128x32xf32, #tpu.memory_space<hbm>> -> memref<128x32xf32, #tpu.memory_space<hbm>>
    tpu.enqueue_dma source(%arg9 : memref<128x32xf32, #tpu.memory_space<vmem>>) target(%dma_start3A_137 : memref<128x32xf32, #tpu.memory_space<hbm>>) target_semaphore(%arg29 : memref<!tpu.dma_semaphore, #tpu.memory_space<semaphore_mem>>)
    %dma_wait3A_138 = arith.constant 0 : i32
    %dma_wait3A_139 = arith.constant 0 : i32
    %dma_wait3A_140 = tpu.memref_slice %arg5[%dma_wait3A_138, %dma_wait3A_139] : memref<100x128xi32, #tpu.memory_space<vmem>> -> memref<1x128xi32, #tpu.memory_space<vmem>>
    %dma_wait3A_141 = tpu.memref_squeeze %dma_wait3A_140 : memref<1x128xi32, #tpu.memory_space<vmem>> -> memref<128xi32, #tpu.memory_space<vmem>>
    %dma_wait3A_142 = arith.constant 0 : i32
    %dma_wait3A_143 = arith.constant 0 : i32
    %dma_wait3A_144 = tpu.memref_slice %arg3[%dma_wait3A_142, %dma_wait3A_143] : memref<1048576x32xf32, #tpu.memory_space<hbm>> -> memref<1048576x32xf32, #tpu.memory_space<hbm>>
    tpu.wait_indirect_dma semaphore(%arg20 : memref<!tpu.dma_semaphore, #tpu.memory_space<semaphore_mem>>) src(%dma_wait3A_144 : memref<1048576x32xf32, #tpu.memory_space<hbm>>) dst(%arg10 : memref<128x32xf32, #tpu.memory_space<vmem>>)
    %dma_start3A_145 = arith.constant 94 : i32
    %dma_start3A_146 = arith.constant 0 : i32
    %dma_start3A_147 = tpu.memref_slice %arg4[%dma_start3A_145, %mul3A_2, %dma_start3A_146] : memref<100x4096x32xf32, #tpu.memory_space<hbm>> -> memref<1x128x32xf32, #tpu.memory_space<hbm>>
    %dma_start3A_148 = tpu.memref_squeeze %dma_start3A_147 : memref<1x128x32xf32, #tpu.memory_space<hbm>> -> memref<128x32xf32, #tpu.memory_space<hbm>>
    %dma_start3A_149 = arith.constant 0 : i32
    %dma_start3A_150 = tpu.memref_slice %arg4[%dma_start3A_145, %mul3A_2, %dma_start3A_149] : memref<100x4096x32xf32, #tpu.memory_space<hbm>> -> memref<1x128x32xf32, #tpu.memory_space<hbm>>
    %dma_start3A_151 = tpu.memref_squeeze %dma_start3A_150 : memref<1x128x32xf32, #tpu.memory_space<hbm>> -> memref<128x32xf32, #tpu.memory_space<hbm>>
    tpu.enqueue_dma source(%arg10 : memref<128x32xf32, #tpu.memory_space<vmem>>) target(%dma_start3A_151 : memref<128x32xf32, #tpu.memory_space<hbm>>) target_semaphore(%arg30 : memref<!tpu.dma_semaphore, #tpu.memory_space<semaphore_mem>>)
    %dma_wait3A_152 = arith.constant 0 : i32
    %dma_wait3A_153 = arith.constant 0 : i32
    %dma_wait3A_154 = tpu.memref_slice %arg5[%dma_wait3A_152, %dma_wait3A_153] : memref<100x128xi32, #tpu.memory_space<vmem>> -> memref<1x128xi32, #tpu.memory_space<vmem>>
    %dma_wait3A_155 = tpu.memref_squeeze %dma_wait3A_154 : memref<1x128xi32, #tpu.memory_space<vmem>> -> memref<128xi32, #tpu.memory_space<vmem>>
    %dma_wait3A_156 = arith.constant 0 : i32
    %dma_wait3A_157 = arith.constant 0 : i32
    %dma_wait3A_158 = tpu.memref_slice %arg3[%dma_wait3A_156, %dma_wait3A_157] : memref<1048576x32xf32, #tpu.memory_space<hbm>> -> memref<1048576x32xf32, #tpu.memory_space<hbm>>
    tpu.wait_indirect_dma semaphore(%arg21 : memref<!tpu.dma_semaphore, #tpu.memory_space<semaphore_mem>>) src(%dma_wait3A_158 : memref<1048576x32xf32, #tpu.memory_space<hbm>>) dst(%arg11 : memref<128x32xf32, #tpu.memory_space<vmem>>)
    %dma_start3A_159 = arith.constant 95 : i32
    %dma_start3A_160 = arith.constant 0 : i32
    %dma_start3A_161 = tpu.memref_slice %arg4[%dma_start3A_159, %mul3A_2, %dma_start3A_160] : memref<100x4096x32xf32, #tpu.memory_space<hbm>> -> memref<1x128x32xf32, #tpu.memory_space<hbm>>
    %dma_start3A_162 = tpu.memref_squeeze %dma_start3A_161 : memref<1x128x32xf32, #tpu.memory_space<hbm>> -> memref<128x32xf32, #tpu.memory_space<hbm>>
    %dma_start3A_163 = arith.constant 0 : i32
    %dma_start3A_164 = tpu.memref_slice %arg4[%dma_start3A_159, %mul3A_2, %dma_start3A_163] : memref<100x4096x32xf32, #tpu.memory_space<hbm>> -> memref<1x128x32xf32, #tpu.memory_space<hbm>>
    %dma_start3A_165 = tpu.memref_squeeze %dma_start3A_164 : memref<1x128x32xf32, #tpu.memory_space<hbm>> -> memref<128x32xf32, #tpu.memory_space<hbm>>
    tpu.enqueue_dma source(%arg11 : memref<128x32xf32, #tpu.memory_space<vmem>>) target(%dma_start3A_165 : memref<128x32xf32, #tpu.memory_space<hbm>>) target_semaphore(%arg31 : memref<!tpu.dma_semaphore, #tpu.memory_space<semaphore_mem>>)
    %dma_wait3A_166 = arith.constant 0 : i32
    %dma_wait3A_167 = arith.constant 0 : i32
    %dma_wait3A_168 = tpu.memref_slice %arg5[%dma_wait3A_166, %dma_wait3A_167] : memref<100x128xi32, #tpu.memory_space<vmem>> -> memref<1x128xi32, #tpu.memory_space<vmem>>
    %dma_wait3A_169 = tpu.memref_squeeze %dma_wait3A_168 : memref<1x128xi32, #tpu.memory_space<vmem>> -> memref<128xi32, #tpu.memory_space<vmem>>
    %dma_wait3A_170 = arith.constant 0 : i32
    %dma_wait3A_171 = arith.constant 0 : i32
    %dma_wait3A_172 = tpu.memref_slice %arg3[%dma_wait3A_170, %dma_wait3A_171] : memref<1048576x32xf32, #tpu.memory_space<hbm>> -> memref<1048576x32xf32, #tpu.memory_space<hbm>>
    tpu.wait_indirect_dma semaphore(%arg22 : memref<!tpu.dma_semaphore, #tpu.memory_space<semaphore_mem>>) src(%dma_wait3A_172 : memref<1048576x32xf32, #tpu.memory_space<hbm>>) dst(%arg12 : memref<128x32xf32, #tpu.memory_space<vmem>>)
    %dma_start3A_173 = arith.constant 96 : i32
    %dma_start3A_174 = arith.constant 0 : i32
    %dma_start3A_175 = tpu.memref_slice %arg4[%dma_start3A_173, %mul3A_2, %dma_start3A_174] : memref<100x4096x32xf32, #tpu.memory_space<hbm>> -> memref<1x128x32xf32, #tpu.memory_space<hbm>>
    %dma_start3A_176 = tpu.memref_squeeze %dma_start3A_175 : memref<1x128x32xf32, #tpu.memory_space<hbm>> -> memref<128x32xf32, #tpu.memory_space<hbm>>
    %dma_start3A_177 = arith.constant 0 : i32
    %dma_start3A_178 = tpu.memref_slice %arg4[%dma_start3A_173, %mul3A_2, %dma_start3A_177] : memref<100x4096x32xf32, #tpu.memory_space<hbm>> -> memref<1x128x32xf32, #tpu.memory_space<hbm>>
    %dma_start3A_179 = tpu.memref_squeeze %dma_start3A_178 : memref<1x128x32xf32, #tpu.memory_space<hbm>> -> memref<128x32xf32, #tpu.memory_space<hbm>>
    tpu.enqueue_dma source(%arg12 : memref<128x32xf32, #tpu.memory_space<vmem>>) target(%dma_start3A_179 : memref<128x32xf32, #tpu.memory_space<hbm>>) target_semaphore(%arg32 : memref<!tpu.dma_semaphore, #tpu.memory_space<semaphore_mem>>)
    %dma_wait3A_180 = arith.constant 0 : i32
    %dma_wait3A_181 = arith.constant 0 : i32
    %dma_wait3A_182 = tpu.memref_slice %arg5[%dma_wait3A_180, %dma_wait3A_181] : memref<100x128xi32, #tpu.memory_space<vmem>> -> memref<1x128xi32, #tpu.memory_space<vmem>>
    %dma_wait3A_183 = tpu.memref_squeeze %dma_wait3A_182 : memref<1x128xi32, #tpu.memory_space<vmem>> -> memref<128xi32, #tpu.memory_space<vmem>>
    %dma_wait3A_184 = arith.constant 0 : i32
    %dma_wait3A_185 = arith.constant 0 : i32
    %dma_wait3A_186 = tpu.memref_slice %arg3[%dma_wait3A_184, %dma_wait3A_185] : memref<1048576x32xf32, #tpu.memory_space<hbm>> -> memref<1048576x32xf32, #tpu.memory_space<hbm>>
    tpu.wait_indirect_dma semaphore(%arg23 : memref<!tpu.dma_semaphore, #tpu.memory_space<semaphore_mem>>) src(%dma_wait3A_186 : memref<1048576x32xf32, #tpu.memory_space<hbm>>) dst(%arg13 : memref<128x32xf32, #tpu.memory_space<vmem>>)
    %dma_start3A_187 = arith.constant 97 : i32
    %dma_start3A_188 = arith.constant 0 : i32
    %dma_start3A_189 = tpu.memref_slice %arg4[%dma_start3A_187, %mul3A_2, %dma_start3A_188] : memref<100x4096x32xf32, #tpu.memory_space<hbm>> -> memref<1x128x32xf32, #tpu.memory_space<hbm>>
    %dma_start3A_190 = tpu.memref_squeeze %dma_start3A_189 : memref<1x128x32xf32, #tpu.memory_space<hbm>> -> memref<128x32xf32, #tpu.memory_space<hbm>>
    %dma_start3A_191 = arith.constant 0 : i32
    %dma_start3A_192 = tpu.memref_slice %arg4[%dma_start3A_187, %mul3A_2, %dma_start3A_191] : memref<100x4096x32xf32, #tpu.memory_space<hbm>> -> memref<1x128x32xf32, #tpu.memory_space<hbm>>
    %dma_start3A_193 = tpu.memref_squeeze %dma_start3A_192 : memref<1x128x32xf32, #tpu.memory_space<hbm>> -> memref<128x32xf32, #tpu.memory_space<hbm>>
    tpu.enqueue_dma source(%arg13 : memref<128x32xf32, #tpu.memory_space<vmem>>) target(%dma_start3A_193 : memref<128x32xf32, #tpu.memory_space<hbm>>) target_semaphore(%arg33 : memref<!tpu.dma_semaphore, #tpu.memory_space<semaphore_mem>>)
    %dma_wait3A_194 = arith.constant 0 : i32
    %dma_wait3A_195 = arith.constant 0 : i32
    %dma_wait3A_196 = tpu.memref_slice %arg5[%dma_wait3A_194, %dma_wait3A_195] : memref<100x128xi32, #tpu.memory_space<vmem>> -> memref<1x128xi32, #tpu.memory_space<vmem>>
    %dma_wait3A_197 = tpu.memref_squeeze %dma_wait3A_196 : memref<1x128xi32, #tpu.memory_space<vmem>> -> memref<128xi32, #tpu.memory_space<vmem>>
    %dma_wait3A_198 = arith.constant 0 : i32
    %dma_wait3A_199 = arith.constant 0 : i32
    %dma_wait3A_200 = tpu.memref_slice %arg3[%dma_wait3A_198, %dma_wait3A_199] : memref<1048576x32xf32, #tpu.memory_space<hbm>> -> memref<1048576x32xf32, #tpu.memory_space<hbm>>
    tpu.wait_indirect_dma semaphore(%arg24 : memref<!tpu.dma_semaphore, #tpu.memory_space<semaphore_mem>>) src(%dma_wait3A_200 : memref<1048576x32xf32, #tpu.memory_space<hbm>>) dst(%arg14 : memref<128x32xf32, #tpu.memory_space<vmem>>)
    %dma_start3A_201 = arith.constant 98 : i32
    %dma_start3A_202 = arith.constant 0 : i32
    %dma_start3A_203 = tpu.memref_slice %arg4[%dma_start3A_201, %mul3A_2, %dma_start3A_202] : memref<100x4096x32xf32, #tpu.memory_space<hbm>> -> memref<1x128x32xf32, #tpu.memory_space<hbm>>
    %dma_start3A_204 = tpu.memref_squeeze %dma_start3A_203 : memref<1x128x32xf32, #tpu.memory_space<hbm>> -> memref<128x32xf32, #tpu.memory_space<hbm>>
    %dma_start3A_205 = arith.constant 0 : i32
    %dma_start3A_206 = tpu.memref_slice %arg4[%dma_start3A_201, %mul3A_2, %dma_start3A_205] : memref<100x4096x32xf32, #tpu.memory_space<hbm>> -> memref<1x128x32xf32, #tpu.memory_space<hbm>>
    %dma_start3A_207 = tpu.memref_squeeze %dma_start3A_206 : memref<1x128x32xf32, #tpu.memory_space<hbm>> -> memref<128x32xf32, #tpu.memory_space<hbm>>
    tpu.enqueue_dma source(%arg14 : memref<128x32xf32, #tpu.memory_space<vmem>>) target(%dma_start3A_207 : memref<128x32xf32, #tpu.memory_space<hbm>>) target_semaphore(%arg34 : memref<!tpu.dma_semaphore, #tpu.memory_space<semaphore_mem>>)
    %dma_wait3A_208 = arith.constant 0 : i32
    %dma_wait3A_209 = arith.constant 0 : i32
    %dma_wait3A_210 = tpu.memref_slice %arg5[%dma_wait3A_208, %dma_wait3A_209] : memref<100x128xi32, #tpu.memory_space<vmem>> -> memref<1x128xi32, #tpu.memory_space<vmem>>
    %dma_wait3A_211 = tpu.memref_squeeze %dma_wait3A_210 : memref<1x128xi32, #tpu.memory_space<vmem>> -> memref<128xi32, #tpu.memory_space<vmem>>
    %dma_wait3A_212 = arith.constant 0 : i32
    %dma_wait3A_213 = arith.constant 0 : i32
    %dma_wait3A_214 = tpu.memref_slice %arg3[%dma_wait3A_212, %dma_wait3A_213] : memref<1048576x32xf32, #tpu.memory_space<hbm>> -> memref<1048576x32xf32, #tpu.memory_space<hbm>>
    tpu.wait_indirect_dma semaphore(%arg25 : memref<!tpu.dma_semaphore, #tpu.memory_space<semaphore_mem>>) src(%dma_wait3A_214 : memref<1048576x32xf32, #tpu.memory_space<hbm>>) dst(%arg15 : memref<128x32xf32, #tpu.memory_space<vmem>>)
    %dma_start3A_215 = arith.constant 99 : i32
    %dma_start3A_216 = arith.constant 0 : i32
    %dma_start3A_217 = tpu.memref_slice %arg4[%dma_start3A_215, %mul3A_2, %dma_start3A_216] : memref<100x4096x32xf32, #tpu.memory_space<hbm>> -> memref<1x128x32xf32, #tpu.memory_space<hbm>>
    %dma_start3A_218 = tpu.memref_squeeze %dma_start3A_217 : memref<1x128x32xf32, #tpu.memory_space<hbm>> -> memref<128x32xf32, #tpu.memory_space<hbm>>
    %dma_start3A_219 = arith.constant 0 : i32
    %dma_start3A_220 = tpu.memref_slice %arg4[%dma_start3A_215, %mul3A_2, %dma_start3A_219] : memref<100x4096x32xf32, #tpu.memory_space<hbm>> -> memref<1x128x32xf32, #tpu.memory_space<hbm>>
    %dma_start3A_221 = tpu.memref_squeeze %dma_start3A_220 : memref<1x128x32xf32, #tpu.memory_space<hbm>> -> memref<128x32xf32, #tpu.memory_space<hbm>>
    tpu.enqueue_dma source(%arg15 : memref<128x32xf32, #tpu.memory_space<vmem>>) target(%dma_start3A_221 : memref<128x32xf32, #tpu.memory_space<hbm>>) target_semaphore(%arg35 : memref<!tpu.dma_semaphore, #tpu.memory_space<semaphore_mem>>)
    %dma_wait3A_222 = arith.constant 0 : i32
    %dma_wait3A_223 = arith.constant 0 : i32
    %dma_wait3A_224 = arith.constant 0 : i32
    %dma_wait3A_225 = tpu.memref_slice %arg4[%dma_wait3A_222, %dma_wait3A_223, %dma_wait3A_224] : memref<100x4096x32xf32, #tpu.memory_space<hbm>> -> memref<1x128x32xf32, #tpu.memory_space<hbm>>
    %dma_wait3A_226 = tpu.memref_squeeze %dma_wait3A_225 : memref<1x128x32xf32, #tpu.memory_space<hbm>> -> memref<128x32xf32, #tpu.memory_space<hbm>>
    %dma_wait3A_227 = arith.constant 0 : i32
    %dma_wait3A_228 = arith.constant 0 : i32
    %dma_wait3A_229 = tpu.memref_slice %arg4[%dma_wait3A_222, %dma_wait3A_227, %dma_wait3A_228] : memref<100x4096x32xf32, #tpu.memory_space<hbm>> -> memref<1x128x32xf32, #tpu.memory_space<hbm>>
    %dma_wait3A_230 = tpu.memref_squeeze %dma_wait3A_229 : memref<1x128x32xf32, #tpu.memory_space<hbm>> -> memref<128x32xf32, #tpu.memory_space<hbm>>
    tpu.wait_dma2 semaphore(%arg26 : memref<!tpu.dma_semaphore, #tpu.memory_space<semaphore_mem>>) src(%arg6 : memref<128x32xf32, #tpu.memory_space<vmem>>) dst(%dma_wait3A_230 : memref<128x32xf32, #tpu.memory_space<hbm>>)
    %dma_wait3A_231 = arith.constant 0 : i32
    %dma_wait3A_232 = arith.constant 0 : i32
    %dma_wait3A_233 = arith.constant 0 : i32
    %dma_wait3A_234 = tpu.memref_slice %arg4[%dma_wait3A_231, %dma_wait3A_232, %dma_wait3A_233] : memref<100x4096x32xf32, #tpu.memory_space<hbm>> -> memref<1x128x32xf32, #tpu.memory_space<hbm>>
    %dma_wait3A_235 = tpu.memref_squeeze %dma_wait3A_234 : memref<1x128x32xf32, #tpu.memory_space<hbm>> -> memref<128x32xf32, #tpu.memory_space<hbm>>
    %dma_wait3A_236 = arith.constant 0 : i32
    %dma_wait3A_237 = arith.constant 0 : i32
    %dma_wait3A_238 = tpu.memref_slice %arg4[%dma_wait3A_231, %dma_wait3A_236, %dma_wait3A_237] : memref<100x4096x32xf32, #tpu.memory_space<hbm>> -> memref<1x128x32xf32, #tpu.memory_space<hbm>>
    %dma_wait3A_239 = tpu.memref_squeeze %dma_wait3A_238 : memref<1x128x32xf32, #tpu.memory_space<hbm>> -> memref<128x32xf32, #tpu.memory_space<hbm>>
    tpu.wait_dma2 semaphore(%arg27 : memref<!tpu.dma_semaphore, #tpu.memory_space<semaphore_mem>>) src(%arg7 : memref<128x32xf32, #tpu.memory_space<vmem>>) dst(%dma_wait3A_239 : memref<128x32xf32, #tpu.memory_space<hbm>>)
    %dma_wait3A_240 = arith.constant 0 : i32
    %dma_wait3A_241 = arith.constant 0 : i32
    %dma_wait3A_242 = arith.constant 0 : i32
    %dma_wait3A_243 = tpu.memref_slice %arg4[%dma_wait3A_240, %dma_wait3A_241, %dma_wait3A_242] : memref<100x4096x32xf32, #tpu.memory_space<hbm>> -> memref<1x128x32xf32, #tpu.memory_space<hbm>>
    %dma_wait3A_244 = tpu.memref_squeeze %dma_wait3A_243 : memref<1x128x32xf32, #tpu.memory_space<hbm>> -> memref<128x32xf32, #tpu.memory_space<hbm>>
    %dma_wait3A_245 = arith.constant 0 : i32
    %dma_wait3A_246 = arith.constant 0 : i32
    %dma_wait3A_247 = tpu.memref_slice %arg4[%dma_wait3A_240, %dma_wait3A_245, %dma_wait3A_246] : memref<100x4096x32xf32, #tpu.memory_space<hbm>> -> memref<1x128x32xf32, #tpu.memory_space<hbm>>
    %dma_wait3A_248 = tpu.memref_squeeze %dma_wait3A_247 : memref<1x128x32xf32, #tpu.memory_space<hbm>> -> memref<128x32xf32, #tpu.memory_space<hbm>>
    tpu.wait_dma2 semaphore(%arg28 : memref<!tpu.dma_semaphore, #tpu.memory_space<semaphore_mem>>) src(%arg8 : memref<128x32xf32, #tpu.memory_space<vmem>>) dst(%dma_wait3A_248 : memref<128x32xf32, #tpu.memory_space<hbm>>)
    %dma_wait3A_249 = arith.constant 0 : i32
    %dma_wait3A_250 = arith.constant 0 : i32
    %dma_wait3A_251 = arith.constant 0 : i32
    %dma_wait3A_252 = tpu.memref_slice %arg4[%dma_wait3A_249, %dma_wait3A_250, %dma_wait3A_251] : memref<100x4096x32xf32, #tpu.memory_space<hbm>> -> memref<1x128x32xf32, #tpu.memory_space<hbm>>
    %dma_wait3A_253 = tpu.memref_squeeze %dma_wait3A_252 : memref<1x128x32xf32, #tpu.memory_space<hbm>> -> memref<128x32xf32, #tpu.memory_space<hbm>>
    %dma_wait3A_254 = arith.constant 0 : i32
    %dma_wait3A_255 = arith.constant 0 : i32
    %dma_wait3A_256 = tpu.memref_slice %arg4[%dma_wait3A_249, %dma_wait3A_254, %dma_wait3A_255] : memref<100x4096x32xf32, #tpu.memory_space<hbm>> -> memref<1x128x32xf32, #tpu.memory_space<hbm>>
    %dma_wait3A_257 = tpu.memref_squeeze %dma_wait3A_256 : memref<1x128x32xf32, #tpu.memory_space<hbm>> -> memref<128x32xf32, #tpu.memory_space<hbm>>
    tpu.wait_dma2 semaphore(%arg29 : memref<!tpu.dma_semaphore, #tpu.memory_space<semaphore_mem>>) src(%arg9 : memref<128x32xf32, #tpu.memory_space<vmem>>) dst(%dma_wait3A_257 : memref<128x32xf32, #tpu.memory_space<hbm>>)
    %dma_wait3A_258 = arith.constant 0 : i32
    %dma_wait3A_259 = arith.constant 0 : i32
    %dma_wait3A_260 = arith.constant 0 : i32
    %dma_wait3A_261 = tpu.memref_slice %arg4[%dma_wait3A_258, %dma_wait3A_259, %dma_wait3A_260] : memref<100x4096x32xf32, #tpu.memory_space<hbm>> -> memref<1x128x32xf32, #tpu.memory_space<hbm>>
    %dma_wait3A_262 = tpu.memref_squeeze %dma_wait3A_261 : memref<1x128x32xf32, #tpu.memory_space<hbm>> -> memref<128x32xf32, #tpu.memory_space<hbm>>
    %dma_wait3A_263 = arith.constant 0 : i32
    %dma_wait3A_264 = arith.constant 0 : i32
    %dma_wait3A_265 = tpu.memref_slice %arg4[%dma_wait3A_258, %dma_wait3A_263, %dma_wait3A_264] : memref<100x4096x32xf32, #tpu.memory_space<hbm>> -> memref<1x128x32xf32, #tpu.memory_space<hbm>>
    %dma_wait3A_266 = tpu.memref_squeeze %dma_wait3A_265 : memref<1x128x32xf32, #tpu.memory_space<hbm>> -> memref<128x32xf32, #tpu.memory_space<hbm>>
    tpu.wait_dma2 semaphore(%arg30 : memref<!tpu.dma_semaphore, #tpu.memory_space<semaphore_mem>>) src(%arg10 : memref<128x32xf32, #tpu.memory_space<vmem>>) dst(%dma_wait3A_266 : memref<128x32xf32, #tpu.memory_space<hbm>>)
    %dma_wait3A_267 = arith.constant 0 : i32
    %dma_wait3A_268 = arith.constant 0 : i32
    %dma_wait3A_269 = arith.constant 0 : i32
    %dma_wait3A_270 = tpu.memref_slice %arg4[%dma_wait3A_267, %dma_wait3A_268, %dma_wait3A_269] : memref<100x4096x32xf32, #tpu.memory_space<hbm>> -> memref<1x128x32xf32, #tpu.memory_space<hbm>>
    %dma_wait3A_271 = tpu.memref_squeeze %dma_wait3A_270 : memref<1x128x32xf32, #tpu.memory_space<hbm>> -> memref<128x32xf32, #tpu.memory_space<hbm>>
    %dma_wait3A_272 = arith.constant 0 : i32
    %dma_wait3A_273 = arith.constant 0 : i32
    %dma_wait3A_274 = tpu.memref_slice %arg4[%dma_wait3A_267, %dma_wait3A_272, %dma_wait3A_273] : memref<100x4096x32xf32, #tpu.memory_space<hbm>> -> memref<1x128x32xf32, #tpu.memory_space<hbm>>
    %dma_wait3A_275 = tpu.memref_squeeze %dma_wait3A_274 : memref<1x128x32xf32, #tpu.memory_space<hbm>> -> memref<128x32xf32, #tpu.memory_space<hbm>>
    tpu.wait_dma2 semaphore(%arg31 : memref<!tpu.dma_semaphore, #tpu.memory_space<semaphore_mem>>) src(%arg11 : memref<128x32xf32, #tpu.memory_space<vmem>>) dst(%dma_wait3A_275 : memref<128x32xf32, #tpu.memory_space<hbm>>)
    %dma_wait3A_276 = arith.constant 0 : i32
    %dma_wait3A_277 = arith.constant 0 : i32
    %dma_wait3A_278 = arith.constant 0 : i32
    %dma_wait3A_279 = tpu.memref_slice %arg4[%dma_wait3A_276, %dma_wait3A_277, %dma_wait3A_278] : memref<100x4096x32xf32, #tpu.memory_space<hbm>> -> memref<1x128x32xf32, #tpu.memory_space<hbm>>
    %dma_wait3A_280 = tpu.memref_squeeze %dma_wait3A_279 : memref<1x128x32xf32, #tpu.memory_space<hbm>> -> memref<128x32xf32, #tpu.memory_space<hbm>>
    %dma_wait3A_281 = arith.constant 0 : i32
    %dma_wait3A_282 = arith.constant 0 : i32
    %dma_wait3A_283 = tpu.memref_slice %arg4[%dma_wait3A_276, %dma_wait3A_281, %dma_wait3A_282] : memref<100x4096x32xf32, #tpu.memory_space<hbm>> -> memref<1x128x32xf32, #tpu.memory_space<hbm>>
    %dma_wait3A_284 = tpu.memref_squeeze %dma_wait3A_283 : memref<1x128x32xf32, #tpu.memory_space<hbm>> -> memref<128x32xf32, #tpu.memory_space<hbm>>
    tpu.wait_dma2 semaphore(%arg32 : memref<!tpu.dma_semaphore, #tpu.memory_space<semaphore_mem>>) src(%arg12 : memref<128x32xf32, #tpu.memory_space<vmem>>) dst(%dma_wait3A_284 : memref<128x32xf32, #tpu.memory_space<hbm>>)
    %dma_wait3A_285 = arith.constant 0 : i32
    %dma_wait3A_286 = arith.constant 0 : i32
    %dma_wait3A_287 = arith.constant 0 : i32
    %dma_wait3A_288 = tpu.memref_slice %arg4[%dma_wait3A_285, %dma_wait3A_286, %dma_wait3A_287] : memref<100x4096x32xf32, #tpu.memory_space<hbm>> -> memref<1x128x32xf32, #tpu.memory_space<hbm>>
    %dma_wait3A_289 = tpu.memref_squeeze %dma_wait3A_288 : memref<1x128x32xf32, #tpu.memory_space<hbm>> -> memref<128x32xf32, #tpu.memory_space<hbm>>
    %dma_wait3A_290 = arith.constant 0 : i32
    %dma_wait3A_291 = arith.constant 0 : i32
    %dma_wait3A_292 = tpu.memref_slice %arg4[%dma_wait3A_285, %dma_wait3A_290, %dma_wait3A_291] : memref<100x4096x32xf32, #tpu.memory_space<hbm>> -> memref<1x128x32xf32, #tpu.memory_space<hbm>>
    %dma_wait3A_293 = tpu.memref_squeeze %dma_wait3A_292 : memref<1x128x32xf32, #tpu.memory_space<hbm>> -> memref<128x32xf32, #tpu.memory_space<hbm>>
    tpu.wait_dma2 semaphore(%arg33 : memref<!tpu.dma_semaphore, #tpu.memory_space<semaphore_mem>>) src(%arg13 : memref<128x32xf32, #tpu.memory_space<vmem>>) dst(%dma_wait3A_293 : memref<128x32xf32, #tpu.memory_space<hbm>>)
    %dma_wait3A_294 = arith.constant 0 : i32
    %dma_wait3A_295 = arith.constant 0 : i32
    %dma_wait3A_296 = arith.constant 0 : i32
    %dma_wait3A_297 = tpu.memref_slice %arg4[%dma_wait3A_294, %dma_wait3A_295, %dma_wait3A_296] : memref<100x4096x32xf32, #tpu.memory_space<hbm>> -> memref<1x128x32xf32, #tpu.memory_space<hbm>>
    %dma_wait3A_298 = tpu.memref_squeeze %dma_wait3A_297 : memref<1x128x32xf32, #tpu.memory_space<hbm>> -> memref<128x32xf32, #tpu.memory_space<hbm>>
    %dma_wait3A_299 = arith.constant 0 : i32
    %dma_wait3A_300 = arith.constant 0 : i32
    %dma_wait3A_301 = tpu.memref_slice %arg4[%dma_wait3A_294, %dma_wait3A_299, %dma_wait3A_300] : memref<100x4096x32xf32, #tpu.memory_space<hbm>> -> memref<1x128x32xf32, #tpu.memory_space<hbm>>
    %dma_wait3A_302 = tpu.memref_squeeze %dma_wait3A_301 : memref<1x128x32xf32, #tpu.memory_space<hbm>> -> memref<128x32xf32, #tpu.memory_space<hbm>>
    tpu.wait_dma2 semaphore(%arg34 : memref<!tpu.dma_semaphore, #tpu.memory_space<semaphore_mem>>) src(%arg14 : memref<128x32xf32, #tpu.memory_space<vmem>>) dst(%dma_wait3A_302 : memref<128x32xf32, #tpu.memory_space<hbm>>)
    %dma_wait3A_303 = arith.constant 0 : i32
    %dma_wait3A_304 = arith.constant 0 : i32
    %dma_wait3A_305 = arith.constant 0 : i32
    %dma_wait3A_306 = tpu.memref_slice %arg4[%dma_wait3A_303, %dma_wait3A_304, %dma_wait3A_305] : memref<100x4096x32xf32, #tpu.memory_space<hbm>> -> memref<1x128x32xf32, #tpu.memory_space<hbm>>
    %dma_wait3A_307 = tpu.memref_squeeze %dma_wait3A_306 : memref<1x128x32xf32, #tpu.memory_space<hbm>> -> memref<128x32xf32, #tpu.memory_space<hbm>>
    %dma_wait3A_308 = arith.constant 0 : i32
    %dma_wait3A_309 = arith.constant 0 : i32
    %dma_wait3A_310 = tpu.memref_slice %arg4[%dma_wait3A_303, %dma_wait3A_308, %dma_wait3A_309] : memref<100x4096x32xf32, #tpu.memory_space<hbm>> -> memref<1x128x32xf32, #tpu.memory_space<hbm>>
    %dma_wait3A_311 = tpu.memref_squeeze %dma_wait3A_310 : memref<1x128x32xf32, #tpu.memory_space<hbm>> -> memref<128x32xf32, #tpu.memory_space<hbm>>
    tpu.wait_dma2 semaphore(%arg35 : memref<!tpu.dma_semaphore, #tpu.memory_space<semaphore_mem>>) src(%arg15 : memref<128x32xf32, #tpu.memory_space<vmem>>) dst(%dma_wait3A_311 : memref<128x32xf32, #tpu.memory_space<hbm>>)
    return
  }
}

module attributes {stable_mosaic.version = 14 : i64} {
  func.func @_pack_body(%arg0: i32, %arg1: memref<32x65536xf32, #tpu.memory_space<vmem>>, %arg2: memref<16384x128xf32, #tpu.memory_space<vmem>>) attributes {dimension_semantics = [#tpu.dimension_semantics<arbitrary>], iteration_bounds = array<i64: 16>, scalar_prefetch = 0 : i64, scratch_operands = 0 : i64, tpu.core_type = #tpu.core_type<tc>, window_params = [{transform_indices = @transform_0, window_bounds = array<i64: 32, 65536>}, {transform_indices = @transform_1, window_bounds = array<i64: 16384, 128>}]} {
    %get3A = arith.constant 0 : index
    %get3A_0 = arith.constant 0 : index
    %get3A_1 = vector.load %arg1[%get3A, %get3A_0] : memref<32x65536xf32, #tpu.memory_space<vmem>>, vector<32x65536xf32>
    %slice3A = vector.extract_strided_slice %get3A_1 {offsets = [0, 0], sizes = [32, 16384], strides = [1, 1]} : vector<32x65536xf32> to vector<32x16384xf32>
    %slice3A_2 = vector.extract_strided_slice %get3A_1 {offsets = [0, 16384], sizes = [32, 16384], strides = [1, 1]} : vector<32x65536xf32> to vector<32x16384xf32>
    %slice3A_3 = vector.extract_strided_slice %get3A_1 {offsets = [0, 32768], sizes = [32, 16384], strides = [1, 1]} : vector<32x65536xf32> to vector<32x16384xf32>
    %slice3A_4 = vector.extract_strided_slice %get3A_1 {offsets = [0, 49152], sizes = [32, 16384], strides = [1, 1]} : vector<32x65536xf32> to vector<32x16384xf32>
    %concatenate3A = tpu.concatenate %slice3A, %slice3A_2, %slice3A_3, %slice3A_4 in 0 : vector<32x16384xf32>, vector<32x16384xf32>, vector<32x16384xf32>, vector<32x16384xf32> -> vector<128x16384xf32>
    %transpose3A = tpu.transpose %concatenate3A, [1, 0] : vector<128x16384xf32> -> vector<16384x128xf32>
    %swap3A = arith.constant 0 : index
    %swap3A_5 = arith.constant 0 : index
    %swap3A_6 = vector.load %arg2[%swap3A, %swap3A_5] : memref<16384x128xf32, #tpu.memory_space<vmem>>, vector<16384x128xf32>
    tpu.vector_store %arg2[%swap3A, %swap3A_5], %transpose3A {strides = array<i32>} : memref<16384x128xf32, #tpu.memory_space<vmem>>, vector<16384x128xf32>,
    return
  }
  func.func @transform_0(%arg0: i32) -> (i32, i32) {
    %c0_i32 = arith.constant 0 : i32
    %c0_i32_0 = arith.constant 0 : i32
    return %c0_i32, %arg0 : i32, i32
  }
  func.func @transform_1(%arg0: i32) -> (i32, i32) {
    %c0_i32 = arith.constant 0 : i32
    %c0_i32_0 = arith.constant 0 : i32
    return %arg0, %c0_i32 : i32, i32
  }
}

module attributes {stable_mosaic.version = 14 : i64} {
  func.func @_unpack_body(%arg0: i32, %arg1: memref<4096x128xf32, #tpu.memory_space<vmem>>, %arg2: memref<128x4096xf32, #tpu.memory_space<vmem>>) attributes {dimension_semantics = [#tpu.dimension_semantics<arbitrary>], iteration_bounds = array<i64: 25>, scalar_prefetch = 0 : i64, scratch_operands = 0 : i64, tpu.core_type = #tpu.core_type<tc>, window_params = [{transform_indices = @transform_0, window_bounds = array<i64: 4096, 128>}, {transform_indices = @transform_1, window_bounds = array<i64: 128, 4096>}]} {
    %get3A = arith.constant 0 : index
    %get3A_0 = arith.constant 0 : index
    %get3A_1 = vector.load %arg1[%get3A, %get3A_0] : memref<4096x128xf32, #tpu.memory_space<vmem>>, vector<4096x128xf32>
    %transpose3A = tpu.transpose %get3A_1, [1, 0] : vector<4096x128xf32> -> vector<128x4096xf32>
    %slice3A = vector.extract_strided_slice %transpose3A {offsets = [0, 0], sizes = [32, 1024], strides = [1, 1]} : vector<128x4096xf32> to vector<32x1024xf32>
    %slice3A_2 = vector.extract_strided_slice %transpose3A {offsets = [32, 0], sizes = [32, 1024], strides = [1, 1]} : vector<128x4096xf32> to vector<32x1024xf32>
    %slice3A_3 = vector.extract_strided_slice %transpose3A {offsets = [64, 0], sizes = [32, 1024], strides = [1, 1]} : vector<128x4096xf32> to vector<32x1024xf32>
    %slice3A_4 = vector.extract_strided_slice %transpose3A {offsets = [96, 0], sizes = [32, 1024], strides = [1, 1]} : vector<128x4096xf32> to vector<32x1024xf32>
    %concatenate3A = tpu.concatenate %slice3A, %slice3A_2, %slice3A_3, %slice3A_4 in 1 : vector<32x1024xf32>, vector<32x1024xf32>, vector<32x1024xf32>, vector<32x1024xf32> -> vector<32x4096xf32>
    %slice3A_5 = vector.extract_strided_slice %transpose3A {offsets = [0, 1024], sizes = [32, 1024], strides = [1, 1]} : vector<128x4096xf32> to vector<32x1024xf32>
    %slice3A_6 = vector.extract_strided_slice %transpose3A {offsets = [32, 1024], sizes = [32, 1024], strides = [1, 1]} : vector<128x4096xf32> to vector<32x1024xf32>
    %slice3A_7 = vector.extract_strided_slice %transpose3A {offsets = [64, 1024], sizes = [32, 1024], strides = [1, 1]} : vector<128x4096xf32> to vector<32x1024xf32>
    %slice3A_8 = vector.extract_strided_slice %transpose3A {offsets = [96, 1024], sizes = [32, 1024], strides = [1, 1]} : vector<128x4096xf32> to vector<32x1024xf32>
    %concatenate3A_9 = tpu.concatenate %slice3A_5, %slice3A_6, %slice3A_7, %slice3A_8 in 1 : vector<32x1024xf32>, vector<32x1024xf32>, vector<32x1024xf32>, vector<32x1024xf32> -> vector<32x4096xf32>
    %slice3A_10 = vector.extract_strided_slice %transpose3A {offsets = [0, 2048], sizes = [32, 1024], strides = [1, 1]} : vector<128x4096xf32> to vector<32x1024xf32>
    %slice3A_11 = vector.extract_strided_slice %transpose3A {offsets = [32, 2048], sizes = [32, 1024], strides = [1, 1]} : vector<128x4096xf32> to vector<32x1024xf32>
    %slice3A_12 = vector.extract_strided_slice %transpose3A {offsets = [64, 2048], sizes = [32, 1024], strides = [1, 1]} : vector<128x4096xf32> to vector<32x1024xf32>
    %slice3A_13 = vector.extract_strided_slice %transpose3A {offsets = [96, 2048], sizes = [32, 1024], strides = [1, 1]} : vector<128x4096xf32> to vector<32x1024xf32>
    %concatenate3A_14 = tpu.concatenate %slice3A_10, %slice3A_11, %slice3A_12, %slice3A_13 in 1 : vector<32x1024xf32>, vector<32x1024xf32>, vector<32x1024xf32>, vector<32x1024xf32> -> vector<32x4096xf32>
    %slice3A_15 = vector.extract_strided_slice %transpose3A {offsets = [0, 3072], sizes = [32, 1024], strides = [1, 1]} : vector<128x4096xf32> to vector<32x1024xf32>
    %slice3A_16 = vector.extract_strided_slice %transpose3A {offsets = [32, 3072], sizes = [32, 1024], strides = [1, 1]} : vector<128x4096xf32> to vector<32x1024xf32>
    %slice3A_17 = vector.extract_strided_slice %transpose3A {offsets = [64, 3072], sizes = [32, 1024], strides = [1, 1]} : vector<128x4096xf32> to vector<32x1024xf32>
    %slice3A_18 = vector.extract_strided_slice %transpose3A {offsets = [96, 3072], sizes = [32, 1024], strides = [1, 1]} : vector<128x4096xf32> to vector<32x1024xf32>
    %concatenate3A_19 = tpu.concatenate %slice3A_15, %slice3A_16, %slice3A_17, %slice3A_18 in 1 : vector<32x1024xf32>, vector<32x1024xf32>, vector<32x1024xf32>, vector<32x1024xf32> -> vector<32x4096xf32>
    %concatenate3A_20 = tpu.concatenate %concatenate3A, %concatenate3A_9, %concatenate3A_14, %concatenate3A_19 in 0 : vector<32x4096xf32>, vector<32x4096xf32>, vector<32x4096xf32>, vector<32x4096xf32> -> vector<128x4096xf32>
    %swap3A = arith.constant 0 : index
    %swap3A_21 = arith.constant 0 : index
    %swap3A_22 = vector.load %arg2[%swap3A, %swap3A_21] : memref<128x4096xf32, #tpu.memory_space<vmem>>, vector<128x4096xf32>
    tpu.vector_store %arg2[%swap3A, %swap3A_21], %concatenate3A_20 {strides = array<i32>} : memref<128x4096xf32, #tpu.memory_space<vmem>>, vector<128x4096xf32>,
    return
  }
  func.func @transform_0(%arg0: i32) -> (i32, i32) {
    %c0_i32 = arith.constant 0 : i32
    %c0_i32_0 = arith.constant 0 : i32
    return %arg0, %c0_i32 : i32, i32
  }
  func.func @transform_1(%arg0: i32) -> (i32, i32) {
    %c0_i32 = arith.constant 0 : i32
    %c0_i32_0 = arith.constant 0 : i32
    return %arg0, %c0_i32 : i32, i32
  }
}

</mosaic_0001>

<sc_bundles>
// kernel: kernel.5.cloned.1.call-start
scs
__scs_entry_jumppad:
0x0: {  	(pc) =	sbr.rel $0x88, $3  }
0x1: {  	(tag) =	ssettag $0x0;
	lr =	simm.s32 $0x1  }
0x2: {  	[smem:$0x3F9F] =	sst lr;
	_ =	strace $0xD0000000  }
0x3: {  	_ = 	snop  }
0x4: {  	_ = 	snop  }
0x5: {  	_ = 	snop  }
0x6: {  	_ = 	snop  }
0x7: {  	_ = 	snop  }
__scs_overlays_trampoline_lowered:
0x8: {  	[smem:$0x3FAE] =	sst s0  }
0x9: {  	[smem:$0x3FAF] =	sst s1  }
0xa: {  	[smem:$0x3FB0] =	sst s2  }
0xb: {  	[smem:$0x3FB1] =	sst s3  }
0xc: {  	[smem:$0x3FB2] =	sst s4  }
0xd: {  	[smem:$0x3FB3] =	sst s5  }
0xe: {  	[smem:$0x3FB4] =	sst s6  }
0xf: {  	[smem:$0x3FB5] =	sst s7  }
0x10: {  	[smem:$0x3FB6] =	sst s8  }
0x11: {  	[smem:$0x3FB7] =	sst s9;
	s0 =	simm.s32 @!p0 $0x0  }
0x12: {  	s1 =	sld [smem:$0x3F9D];
	s0 =	simm.s32 @p0 $0x1  }
0x13: {  	[smem:$0x3FB8] =	sst s0;
	s0 =	simm.s32 @!p1 $0x0  }
0x14: {  	s2 =	sld [smem:$0x3F9C];
	s0 =	simm.s32 @p1 $0x1  }
0x15: {  	[smem:$0x3FB9] =	sst s0;
	s0 =	simm.s32 @!p2 $0x0  }
0x16: {  	s3 =	sld [smem:$0x3FDB];
	s0 =	simm.s32 @p2 $0x1  }
0x17: {  	s4 =	simm.s32 $0x1BF5;
	[smem:$0x3FBB] =	sst s0  }
0x18: {  	s0 =	sld [smem:$0x3F9E];
	_ =	swait.ge [sflag:s4], $0x0  }
0x19: {  	s7 =	sld [smem:$0x3F9F]  }
0x1a: {  	s8 =	sadd.s32 $0xFFFFE003, lr  }
0x1b: {  	s9 =	sadd.s32 $0xFFFFFEF7, lr;
	s5 =	simm.s32 $0xFFFFFFFF;
	p2 =	slt.u32 s8, $0xFFFFF086  }
0x1c: {  	p1 =	slt.u32 s9, $0xF7A;
	s5 =	simm.s32 @!p2 $0x0  }
0x1d: {  	s5 =	simm.s32 @p1 $0x1;
	p0 =	seq.s32 s7, s2  }
0x1e: {  	s7 =	smul.u32 @!p0 $0xF7A, s2;
	p2 =	seq.s32 @!p0 s5, $0x0  }
0x1f: {  	s9 =	smul.u32 $0xF7A, s1;
	s8 =	simm.s32 @!p0 $0x1BF5;
	p2 =	por !p2, p0  }
0x20: {  	[sflag:s8] =	ssyncset.s32 @!p0 $0xFFFFF086;
	s6 =	sadd.s32 @!p0 s3, s7;
	s7 =	simm.s32 @!p0 $0x108  }
0x21: {  	s3 =	sadd.s32 s3, s9;
	s6 =	sadd.s32 @!p0 $0x88, s6;
	s7 =	simm.s32 @p2 $0x1082  }
0x22: {  	[simem:s7], [sflag:s8] =	dma.local @!p0 [hbm:s6], $0xF7A  }
0x23: {  	s9 =	sor.u32 $0xD0000000, s2;
	s6 =	simm.s32 $0x108;
	_ =	swait.ge @!p0 [sflag:s8], $0x0  }
0x24: {  	s3 =	sadd.s32 $0x88, s3;
	s6 =	simm.s32 @!p1 $0x1082;
	[sflag:s4] =	ssyncset.s32 $0xFFFFF086  }
0x25: {  	[simem:s6], [sflag:s4] =	dma.local [hbm:s3], $0xF7A  }
0x26: {  	[smem:$0x3F9F] =	sst s1;
	(tag) =	ssettag s2;
	_ =	strace s9  }
0x27: {  	s1 =	sld [smem:$0x3FAF]  }
0x28: {  	s2 =	sld [smem:$0x3FB0]  }
0x29: {  	s4 =	sld [smem:$0x3FB2]  }
0x2a: {  	p0 =	seq.s32 s5, $0x0;
	s5 =	sld [smem:$0x3FB3]  }
0x2b: {  	s6 =	sld [smem:$0x3FB4]  }
0x2c: {  	s7 =	sld [smem:$0x3FB5]  }
0x2d: {  	s3 =	simm.s32 $0x108;
	s8 =	sld [smem:$0x3FB6]  }
0x2e: {  	s3 =	simm.s32 @!p0 $0x1082;
	s9 =	sld [smem:$0x3FB7]  }
0x2f: {  	lr =	sadd.s32 s0, s3;
	s0 =	sld [smem:$0x3FAE]  }
0x30: {  	s3 =	sld [smem:$0x3FB1]  }
0x31: {  	[smem:$0x3FBA] =	sst s10  }
0x32: {  	s10 =	sld [smem:$0x3FB8];
	_ =	sdelay $0x3  }
0x33: {  	p0 =	seq.s32 s10, $0x1;
	s10 =	sld [smem:$0x3FBA];
	_ =	sdelay $0x3  }
0x34: {  	[smem:$0x3FBA] =	sst s10  }
0x35: {  	s10 =	sld [smem:$0x3FB9];
	_ =	sdelay $0x3  }
0x36: {  	p1 =	seq.s32 s10, $0x1;
	s10 =	sld [smem:$0x3FBA];
	_ =	sdelay $0x3  }
0x37: {  	[smem:$0x3FBA] =	sst s10  }
0x38: {  	s10 =	sld [smem:$0x3FBB]  }
0x39: {  	_ = 	snop;
	(pc) =	sbr.ind lr, $3  }
0x3a: {  	_ = 	snop  }
0x3b: {  	_ = 	snop  }
0x3c: {  	p2 =	seq.s32 s10, $0x1;
	s10 =	sld [smem:$0x3FBA]  }
0x3d: {  	_ =	shalt  }
0x3e: {  	_ =	shalt  }
0x3f: {  	_ =	shalt  }
0x40: {  	_ =	shalt  }
0x41: {  	_ =	shalt  }
0x42: {  	_ =	shalt  }
0x43: {  	_ =	shalt  }
0x44: {  	_ =	shalt  }
0x45: {  	_ =	shalt  }
0x46: {  	_ =	shalt  }
0x47: {  	_ =	shalt  }
0x48: {  	_ =	shalt  }
0x49: {  	_ =	shalt  }
0x4a: {  	_ =	shalt  }
0x4b: {  	_ =	shalt  }
0x4c: {  	_ =	shalt  }
0x4d: {  	_ =	shalt  }
0x4e: {  	_ =	shalt  }
0x4f: {  	_ =	shalt  }
0x50: {  	_ =	shalt  }
0x51: {  	_ =	shalt  }
0x52: {  	_ =	shalt  }
0x53: {  	_ =	shalt  }
0x54: {  	_ =	shalt  }
0x55: {  	_ =	shalt  }
0x56: {  	_ =	shalt  }
0x57: {  	_ =	shalt  }
0x58: {  	_ =	shalt  }
0x59: {  	_ =	shalt  }
0x5a: {  	_ =	shalt  }
0x5b: {  	_ =	shalt  }
0x5c: {  	_ =	shalt  }
0x5d: {  	_ =	shalt  }
0x5e: {  	_ =	shalt  }
0x5f: {  	_ =	shalt  }
0x60: {  	_ =	shalt  }
0x61: {  	_ =	shalt  }
0x62: {  	_ =	shalt  }
0x63: {  	_ =	shalt  }
0x64: {  	_ =	shalt  }
0x65: {  	_ =	shalt  }
0x66: {  	_ =	shalt  }
0x67: {  	_ =	shalt  }
0x68: {  	_ =	shalt  }
0x69: {  	_ =	shalt  }
0x6a: {  	_ =	shalt  }
0x6b: {  	_ =	shalt  }
0x6c: {  	_ =	shalt  }
0x6d: {  	_ =	shalt  }
0x6e: {  	_ =	shalt  }
0x6f: {  	_ =	shalt  }
0x70: {  	_ =	shalt  }
0x71: {  	_ =	shalt  }
0x72: {  	_ =	shalt  }
0x73: {  	_ =	shalt  }
0x74: {  	_ =	shalt  }
0x75: {  	_ =	shalt  }
0x76: {  	_ =	shalt  }
0x77: {  	_ =	shalt  }
0x78: {  	_ =	shalt  }
0x79: {  	_ =	shalt  }
0x7a: {  	_ =	shalt  }
0x7b: {  	_ =	shalt  }
0x7c: {  	_ =	shalt  }
0x7d: {  	_ =	shalt  }
0x7e: {  	_ =	shalt  }
0x7f: {  	_ =	shalt  }
0x80: {  	_ =	shalt  }
0x81: {  	_ =	shalt  }
0x82: {  	_ =	shalt  }
0x83: {  	_ =	shalt  }
0x84: {  	_ =	shalt  }
0x85: {  	_ =	shalt  }
0x86: {  	_ =	shalt  }
0x87: {  	_ =	shalt  }
.Lfunc_end0:
.L_simem_size_0:
called_computation_lowered:
.L_overlay_start_0:
0x88: {  	s2 =	sld [smem:$0x3FD9]  }
0x89: {  	s3 =	sld [smem:$0x3FFE];
	_ =	sdelay $0x1  }
0x8a: {  	s1 =	srdreg.scid  }
0x8b: {  	s0 =	sand.u32 $0x1, s1  }
0x8c: {  	s17 =	sshll.u32 s0, $0xA;
	s2 =	sadd.s32 s3, s2  }
0x8d: {  	s2 =	sadd.s32 s2, s17  }
0x8e: {  	[smem:$0x3FC6] =	sst s2  }
0x8f: {  	_ = 	snop  }
0x90: {  	s2 =	sld [smem:$0x3FD0];
	(tm) =	ssettm $0x1  }
0x91: {  	s18 =	sld [smem:$0x3FFB];
	_ =	sdelay $0x3  }
0x92: {  	_ =	strace s18  }
0x93: {  	s3 =	sld [smem:$0x3FFC];
	_ =	sdelay $0x3  }
0x94: {  	_ =	strace s3  }
0x95: {  	s3 =	sld [smem:$0x3FFD];
	_ =	sdelay $0x3  }
0x96: {  	_ =	strace s3  }
0x97: {  	_ =	strace $0x8FFFFFFF  }
0x98: {  	s19 =	sld [smem:$0x3FDB];
	_ =	sdelay $0x1  }
0x99: {  	s4 =	simm.s32 $_scs_section_size  }
0x9a: {  	s5 =	simm.s32 $_size__tile_overlayer_lowered;
	s6 =	simm.s32 $_tile_overlayer_lowered  }
0x9b: {  	s22 =	simm.s32 $0x1BFF;
	s21 =	sshll.u32 s6, $0x1;
	s3 =	sadd.s32 s4, s19  }
0x9c: {  	s7 =	simm.s32 $0x0;
	s20 =	sshll.u32 s5, $0x1;
	s5 =	sadd.s32 s21, s3  }
0x9d: {  	[timem:s7], [sflag:s22] =	dma.local [hbm:s5], s20  }
0x9e: {  	_ =	swait.ge [sflag:s22], s20  }
0x9f: {  	s4 =	ssub.s32 $0x0, s20;
	[sflag:s22] =	ssyncset.done $0x0  }
0xa0: {  	[sflag:s22] =	ssyncadd.s32 s4;
	_ =	sdelay $0x1  }
0xa1: {  	s23 =	simm.s32 $0x1B8B  }
0xa2: {  	_ =	swait.ge [sflag:s23], $0x1  }
0xa3: {  	[sflag:s23] =	ssyncset.done $0x0  }
0xa4: {  	s25 =	simm.s32 $0x1B8E;
	s24 =	sld [smem:$0x3FFE];
	[sflag:s23] =	ssyncadd.s32 $0xFFFFFFFF  }
0xa5: {  	s26 =	simm.s32 $execute0_lowered;
	[smem:$0x3FD2] =	sst s25  }
0xa6: {  	s5 =	sshll.u32 s26, $0x1;
	_ =	strace $0x80000046;
	[dreg:$0x1] =	wrdreg $0xFFFFFFFF  }
0xa7: {  	s28 =	simm.s32 $_size_execute0_lowered;
	s3 =	sadd.s32 s3, s5;
	[dreg:$0x0] =	wrdreg $0x0  }
0xa8: {  	s5 =	sshll.u32 s28, $0x1;
	[dreg:$0x2] =	wrdreg s3  }
0xa9: {  	[dreg:$0x3] =	wrdreg s5  }
0xaa: {  	[dreg:$0x4] =	wrdreg $0xC0  }
0xab: {  	_ =	task [dreg:s7], $0x5FFFF  }
0xac: {  	[dreg:$0x1] =	wrdreg $0xFFFFFFFF  }
0xad: {  	[dreg:$0x0] =	wrdreg $0x60  }
0xae: {  	[dreg:$0x2] =	wrdreg s2  }
0xaf: {  	[dreg:$0x3] =	wrdreg s24  }
0xb0: {  	[dreg:$0x4] =	wrdreg $0x9  }
0xb1: {  	_ =	task.clear_ibuf [dreg:s7], $0x5FFFF;
	_ =	strace $0x90000046  }
0xb2: {  	s29 =	simm.s32 $0x9;
	_ =	strace $0x80000048  }
0xb3: {  	_ =	swait.ge [sflag:s29], $0x1  }
0xb4: {  	[sflag:s29] =	ssyncadd.s32 $0xFFFFFFFF  }
0xb5: {  	_ =	strace $0x90000048  }
0xb6: {  	_ =	sfence  }
0xb7: {  	s30 =	sld [smem:$0x0];
	_ =	sdelay $0x2  }
0xb8: {  	s31 =	sshll.u32 s1, $0xD;
	s1 =	sshrl.u32 s1, $0x2  }
0xb9: {  	s3 =	sand.u32 $0x4000, s31;
	s1 =	sadd.s32 s1, s30  }
0xba: {  	s0 =	sor.u32 s3, s0;
	s1 =	sshll.u32 s1, $0x11  }
0xbb: {  	s0 =	sor.u32 s1, s0  }
0xbc: {  	s0 =	sadd.s32 $0x8F2B, s0  }
0xbd: {  	[sflag:s0] =	ssyncadd.remote.s32 $0x1  }
0xbe: {  	_ =	sfence.sel $0xFFFF  }
0xbf: {  	[dreg:$0x0] =	wrdreg $0xFFFFFFFF;
	(pc) =	sbr.abs _section_cstart, $3  }
0xc0: {  	[dreg:$0x1] =	wrdreg $0xFFFFFFFF  }
0xc1: {  	_ =	task.clear_ibuf [dreg:s7], $0x2FFFF;
	_ =	strace $0x9FFFFFFF  }
0xc2: {  	(tm) =	ssettm $0x7FFFFFFF  }
0xc3: {  	_ =	shalt  }
tec
execute0_lowered:
.L_overlay_start_1:
0x0: {  	(tag) =	ssettag $0x1  }
0x1: {  	s0 =	rddreg [dreg:$0x0]  }
0x2: {  	s1 =	rddreg [dreg:$0x1]  }
0x3: {  	s3 =	srdreg.scid;
	s2 =	simm.s32 $0x0;
	s8 =	stileid.u32  }
0x4: {  	s4 =	sand.u32 $0x1, s3;
	[smem:$0x7FF] =	sst s2;
	s5 =	sshll.u32 s8, $0x8  }
0x5: {  	s3 =	sadd.s32 $0x400, s1;
	s9 =	sadd.s32 $0x400400, s1;
	s6 =	sshll.u32 s4, $0x7  }
0x6: {  	_ =	strace $0x80000047;
	s26 =	ssub.s32 $0x2, s4;
	s5 =	sor.u32 s6, s5  }
0x7: {  	s7 =	sshrl.u32 s26, $0x1;
	s6 =	sshll.u32 s5, $0x2;
	s5 =	sshrl.u32 s5, $0x3  }
0x8: {  	[dreg:$0xc] =	wrdreg s9;
	s1 =	ssub.s32 s26, s7;
	s0 =	sadd.s32 s0, s5  }
0x9: {  	s6 =	sadd.s32 s6, s9;
	s1 =	smax.u32 s1, $0x1;
	[dreg:$0xd] =	wrdreg s0  }
0xa: {  	s28 =	sadd.s32 $0x168000, s6;
	[dreg:$0x18] =	wrdreg s1  }
0xb: {  	s29 =	sadd.s32 $0x16C000, s6;
	[dreg:$0xe] =	wrdreg s28  }
0xc: {  	s7 =	sadd.s32 $0x170000, s6;
	[dreg:$0xf] =	wrdreg s29  }
0xd: {  	s31 =	sshll.u32 s8, $0xD;
	s8 =	sadd.s32 $0x174000, s6;
	[dreg:$0x10] =	wrdreg s7  }
0xe: {  	s4 =	sshll.u32 s4, $0xC;
	s9 =	sadd.s32 $0x178000, s6;
	[dreg:$0x11] =	wrdreg s8  }
0xf: {  	s0 =	sor.u32 s4, s31;
	s10 =	sadd.s32 $0x17C000, s6;
	[dreg:$0x12] =	wrdreg s9  }
0x10: {  	s12 =	sadd.s32 $0x180000, s6;
	s26 =	sadd.s32 $0x184000, s6;
	[dreg:$0x13] =	wrdreg s10  }
0x11: {  	s31 =	sadd.s32 $0x18C000, s6;
	s11 =	sor.u32 $0x120000, s0;
	[dreg:$0x14] =	wrdreg s12  }
0x12: {  	s13 =	sor.u32 $0x100000, s0;
	s15 =	sor.u32 $0xE0000, s0;
	s17 =	sor.u32 $0xC0000, s0  }
0x13: {  	s19 =	sor.u32 $0xA0000, s0;
	s21 =	sor.u32 $0x80000, s0;
	[dreg:$0x15] =	wrdreg s26  }
0x14: {  	s23 =	sor.u32 $0x60000, s0;
	s29 =	sadd.s32 $0x188000, s6;
	[dreg:$0x17] =	wrdreg s31  }
0x15: {  	s25 =	sor.u32 $0x40000, s0;
	s0 =	sshrl.u32 s0, $0x3;
	[dreg:$0x16] =	wrdreg s29  }
0x16: {  	s30 =	simm.s32 $0x3200;
	s4 =	sshrl.u32 s11, $0x3;
	[dreg:$0xb] =	wrdreg s0  }
0x17: {  	s1 =	simm.s32 $0x0;
	s14 =	sshrl.u32 s13, $0x3;
	[dreg:$0x3] =	wrdreg s4  }
0x18: {  	s26 =	simm.s32 $0x11;
	s16 =	sshrl.u32 s15, $0x3;
	[dreg:$0x4] =	wrdreg s14  }
0x19: {  	s12 =	simm.s32 $0x3200;
	s18 =	sshrl.u32 s17, $0x3;
	[dreg:$0x5] =	wrdreg s16  }
0x1a: {  	s20 =	sshrl.u32 s19, $0x3;
	s22 =	sshrl.u32 s21, $0x3;
	[dreg:$0x6] =	wrdreg s18  }
0x1b: {  	s24 =	sshrl.u32 s23, $0x3;
	s28 =	sshrl.u32 s25, $0x3;
	[dreg:$0x7] =	wrdreg s20  }
0x1c: {  	s17 =	simm.s32 $0x80;
	s0 =	simm.s32 $0x4200;
	[dreg:$0x8] =	wrdreg s22  }
0x1d: {  	s13 =	simm.s32 $0x7;
	s15 =	simm.s32 $0x9;
	[dreg:$0x9] =	wrdreg s24  }
0x1e: {  	s19 =	simm.s32 $0xB;
	s21 =	simm.s32 $0xE;
	[dreg:$0xa] =	wrdreg s28  }
0x1f: {  	s14 =	simm.s32 $0x8;
	s16 =	simm.s32 $0xA;
	s20 =	simm.s32 $0xD  }
.LBB2_1:
0x20: {  	[dreg:$0x19] =	wrdreg s1  }
0x21: {  	s23 =	rddreg [dreg:$0xd];
	s25 =	simm.s32 $0x1000;
	s31 =	simm.s32 $0x15  }
0x22: {  	[tilespmem:s2], [sflag:$0x15] =	stream.strided.gather [hbm4b:s23+s17], $0x3200, s25, s17, $0x38;
	[tilespmem:$0xD200] =	vst v63  }
0x23: {  	_ =	swait.ge [sflag:s31], $0x3200  }
0x24: {  	[sflag:s31] =	ssyncset.done $0x0  }
0x25: {  	s23 =	simm.s32 $0x0;
	[sflag:s31] =	ssyncadd.s32 $0xFFFFCE00  }
0x26: {  	v0 =	vld [tilespmem:s23+$0x0]  }
0x27: {  	v1 =	vld [tilespmem:s23+$0x10]  }
0x28: {  	v5 =	vld [tilespmem:s23+$0x30];
	_ =	sdelay $0x2  }
0x29: {  	v2 =	vshll.u32 v0, $0x2  }
0x2a: {  	v3 =	vld [tilespmem:s23+$0x20];
	v4 =	vand.u32 $0xFFFF0000, v0;
	v0 =	vshrl.u32 v0, $0xE;
	v6 =	vand.u32 $0xFFFF0000, v1  }
0x2b: {  	v7 =	vshll.u32 v5, $0x2;
	v9 =	vand.u32 $0xFFFF0000, v5;
	v5 =	vshrl.u32 v5, $0xE  }
0x2c: {  	v2 =	vand.u32 $0xFFFC, v2;
	v0 =	vand.u32 $0x3, v0;
	v7 =	vand.u32 $0xFFFC, v7  }
0x2d: {  	v8 =	vld [tilespmem:s23+$0x40];
	v2 =	vor.u32 v4, v2;
	v4 =	vshll.u32 v1, $0x2;
	v1 =	vshrl.u32 v1, $0xE  }
0x2e: {  	v7 =	vor.u32 v9, v7;
	v9 =	vand.u32 $0x3, v5;
	v4 =	vand.u32 $0xFFFC, v4  }
0x2f: {  	v5 =	vld [tilespmem:s23+$0x50];
	v0 =	vor.u32 v0, v2;
	v2 =	vor.u32 v6, v4;
	v6 =	vshll.u32 v3, $0x2  }
0x30: {  	v4 =	vand.u32 $0xFFFF0000, v3;
	v3 =	vshrl.u32 v3, $0xE;
	v6 =	vand.u32 $0xFFFC, v6  }
0x31: {  	v1 =	vand.u32 $0x3, v1;
	v3 =	vand.u32 $0x3, v3;
	v6 =	vor.u32 v4, v6  }
0x32: {  	v4 =	vor.u32 v1, v2;
	v1 =	vor.u32 v9, v7;
	v2 =	vld [tilespmem:s23+$0x60];
	v7 =	vshll.u32 v8, $0x2  }
0x33: {  	s25 =	simm.s32 $0x200;
	v3 =	vor.u32 v3, v6;
	v6 =	vand.u32 $0xFFFF0000, v8;
	v8 =	vshrl.u32 v8, $0xE  }
.LBB2_2:
0x34: {  	p0 =	sne.s32 s25, $0xC600;
	v7 =	vand.u32 $0xFFFC, v7;
	v8 =	vand.u32 $0x3, v8;
	v9 =	vshll.u32 v5, $0x2;
	v10 =	vld [tilespmem:s23+$0x70]  }
0x35: {  	v11 =	vand.u32 $0xFFFF0000, v5;
	v5 =	vshrl.u32 v5, $0xE;
	v9 =	vand.u32 $0xFFFC, v9  }
0x36: {  	s28 =	sshra.s32 s25, $0x2;
	v5 =	vand.u32 $0x3, v5;
	[tilespmem:s23+$0x0] =	vst v0;
	v0 =	vor.u32 v6, v7;
	v6 =	vor.u32 v11, v9  }
0x37: {  	v7 =	vld [tilespmem:s28+$0x0];
	[tilespmem:s23+$0x10] =	vst v4;
	v0 =	vor.u32 v8, v0;
	v4 =	vor.u32 v5, v6;
	v5 =	vshll.u32 v2, $0x2  }
0x38: {  	[tilespmem:s23+$0x20] =	vst v3;
	v3 =	vand.u32 $0xFFFF0000, v2;
	v5 =	vand.u32 $0xFFFC, v5;
	v2 =	vshrl.u32 v2, $0xE  }
0x39: {  	v6 =	vld [tilespmem:s28+$0x10];
	[tilespmem:s23+$0x30] =	vst v1;
	v1 =	vor.u32 v3, v5;
	v2 =	vand.u32 $0x3, v2;
	v3 =	vshll.u32 v10, $0x2  }
0x3a: {  	v5 =	vshrl.u32 v10, $0xE;
	[tilespmem:s23+$0x40] =	vst v0;
	v0 =	vand.u32 $0xFFFF0000, v10;
	v3 =	vand.u32 $0xFFFC, v3  }
0x3b: {  	v1 =	vor.u32 v2, v1;
	v2 =	vand.u32 $0x3, v5;
	[tilespmem:s23+$0x50] =	vst v4;
	v0 =	vor.u32 v0, v3  }
0x3c: {  	v3 =	vshll.u32 v7, $0x2;
	v4 =	vld [tilespmem:s28+$0x20];
	[tilespmem:s23+$0x60] =	vst v1;
	v0 =	vor.u32 v2, v0  }
0x3d: {  	v1 =	vand.u32 $0xFFFF0000, v7;
	v2 =	vand.u32 $0xFFFC, v3;
	v3 =	vshrl.u32 v7, $0xE;
	v7 =	vld [tilespmem:s28+$0x30];
	[tilespmem:s23+$0x70] =	vst v0;
	s23 =	smov.u32 s28  }
0x3e: {  	v0 =	vor.u32 v1, v2;
	v1 =	vand.u32 $0x3, v3;
	v2 =	vshll.u32 v6, $0x2  }
0x3f: {  	v3 =	vand.u32 $0xFFFF0000, v6;
	v5 =	vshrl.u32 v6, $0xE;
	v2 =	vand.u32 $0xFFFC, v2  }
0x40: {  	v0 =	vor.u32 v1, v0;
	v1 =	vor.u32 v3, v2;
	v2 =	vand.u32 $0x3, v5  }
0x41: {  	v3 =	vand.u32 $0xFFFF0000, v4;
	v5 =	vshll.u32 v4, $0x2;
	v4 =	vshrl.u32 v4, $0xE;
	v8 =	vld [tilespmem:s23+$0x40]  }
.Ltmp0:
0x42: {  	v6 =	vand.u32 $0xFFFC, v5;
	v9 =	vand.u32 $0x3, v4;
	v4 =	vshll.u32 v7, $0x2;
	v5 =	vld [tilespmem:s23+$0x50];
	(pc) =	sbr.rel @p0 .LBB2_2-.Ltmp0, $4  }
0x43: {  	v10 =	vand.u32 $0xFFFF0000, v7;
	v7 =	vshrl.u32 v7, $0xE;
	v4 =	vand.u32 $0xFFFC, v4  }
0x44: {  	v3 =	vor.u32 v3, v6;
	v7 =	vand.u32 $0x3, v7;
	v6 =	vor.u32 v10, v4  }
0x45: {  	v4 =	vor.u32 v2, v1;
	v3 =	vor.u32 v9, v3;
	v1 =	vor.u32 v7, v6;
	v2 =	vld [tilespmem:s23+$0x60]  }
0x46: {  	s25 =	sadd.s32 $0x200, s25;
	v6 =	vand.u32 $0xFFFF0000, v8;
	v7 =	vshll.u32 v8, $0x2;
	v8 =	vshrl.u32 v8, $0xE  }
0x47: {  	v7 =	vand.u32 $0xFFFC, v7;
	v8 =	vand.u32 $0x3, v8;
	v9 =	vshll.u32 v5, $0x2;
	v10 =	vld [tilespmem:s23+$0x70]  }
0x48: {  	v11 =	vand.u32 $0xFFFF0000, v5;
	v52 =	vshrl.u32 v5, $0xE;
	v9 =	vand.u32 $0xFFFC, v9  }
0x49: {  	[tilespmem:s23+$0x0] =	vst v0;
	v53 =	vor.u32 v6, v7;
	v5 =	vand.u32 $0x3, v52;
	v54 =	vor.u32 v11, v9  }
0x4a: {  	[tilespmem:s23+$0x10] =	vst v4;
	v0 =	vor.u32 v8, v53;
	v55 =	vor.u32 v5, v54;
	v56 =	vshll.u32 v2, $0x2  }
0x4b: {  	[tilespmem:s23+$0x20] =	vst v3;
	v57 =	vand.u32 $0xFFFF0000, v2;
	v58 =	vshrl.u32 v2, $0xE;
	v5 =	vand.u32 $0xFFFC, v56  }
0x4c: {  	[tilespmem:s23+$0x30] =	vst v1;
	v2 =	vand.u32 $0x3, v58;
	v59 =	vor.u32 v57, v5;
	v60 =	vshll.u32 v10, $0x2  }
0x4d: {  	[tilespmem:s23+$0x40] =	vst v0;
	v61 =	vand.u32 $0xFFFF0000, v10;
	v62 =	vshrl.u32 v10, $0xE;
	v3 =	vand.u32 $0xFFFC, v60  }
0x4e: {  	[tilespmem:s23+$0x50] =	vst v55;
	v1 =	vor.u32 v2, v59;
	v63 =	vand.u32 $0x3, v62;
	v0 =	vor.u32 v61, v3  }
0x4f: {  	[tilespmem:s23+$0x60] =	vst v1;
	v0 =	vor.u32 v63, v0  }
0x50: {  	s25 =	simm.s32 $0x0;
	[tilespmem:s23+$0x70] =	vst v0  }
0x51: {  	[tilespmem:s30], [sflag:$0x1] =	stream.indirect.gather [hbm4b:s3+s17], $0x20, s25, s17, $0xb8;
	[tilespmem:$0xD200] =	vst v63  }
0x52: {  	_ = 	snop  }
0x53: {  	[tilespmem:s0], [sflag:$0x2] =	stream.indirect.gather [hbm4b:s3+s17], $0x20, s17, s17, $0xb8;
	[tilespmem:$0xD200] =	vst v63  }
0x54: {  	s18 =	simm.s32 $0x100;
	s7 =	simm.s32 $0x5200  }
0x55: {  	[tilespmem:s7], [sflag:$0x3] =	stream.indirect.gather [hbm4b:s3+s17], $0x20, s18, s17, $0xb8;
	[tilespmem:$0xD200] =	vst v63  }
0x56: {  	s29 =	simm.s32 $0x180;
	s6 =	simm.s32 $0x6200  }
0x57: {  	[tilespmem:s6], [sflag:$0x4] =	stream.indirect.gather [hbm4b:s3+s17], $0x20, s29, s17, $0xb8;
	[tilespmem:$0xD200] =	vst v63  }
0x58: {  	s31 =	simm.s32 $0x200;
	s5 =	simm.s32 $0x7200  }
0x59: {  	[tilespmem:s5], [sflag:$0x5] =	stream.indirect.gather [hbm4b:s3+s17], $0x20, s31, s17, $0xb8;
	[tilespmem:$0xD200] =	vst v63  }
0x5a: {  	s1 =	simm.s32 $0x280;
	s24 =	simm.s32 $0x8200  }
0x5b: {  	[tilespmem:s24], [sflag:$0x6] =	stream.indirect.gather [hbm4b:s3+s17], $0x20, s1, s17, $0xb8;
	[tilespmem:$0xD200] =	vst v63  }
0x5c: {  	s4 =	simm.s32 $0x300;
	s22 =	simm.s32 $0x9200  }
0x5d: {  	[tilespmem:s22], [sflag:$0x7] =	stream.indirect.gather [hbm4b:s3+s17], $0x20, s4, s17, $0xb8;
	[tilespmem:$0xD200] =	vst v63  }
0x5e: {  	s8 =	simm.s32 $0x380;
	s29 =	simm.s32 $0xA200  }
0x5f: {  	[tilespmem:s29], [sflag:$0x8] =	stream.indirect.gather [hbm4b:s3+s17], $0x20, s8, s17, $0xb8;
	[tilespmem:$0xD200] =	vst v63  }
0x60: {  	s9 =	simm.s32 $0x400;
	s28 =	simm.s32 $0xB200  }
0x61: {  	[tilespmem:s28], [sflag:$0x9] =	stream.indirect.gather [hbm4b:s3+s17], $0x20, s9, s17, $0xb8;
	[tilespmem:$0xD200] =	vst v63  }
0x62: {  	s10 =	simm.s32 $0x480;
	s1 =	simm.s32 $0xC200;
	s4 =	simm.s32 $0x1  }
0x63: {  	[tilespmem:s1], [sflag:$0xA] =	stream.indirect.gather [hbm4b:s3+s17], $0x20, s10, s17, $0xb8;
	[tilespmem:$0xD200] =	vst v63  }
0x64: {  	_ =	swait.ge [sflag:s4], $0x1000  }
0x65: {  	s11 =	rddreg [dreg:$0xb]  }
0x66: {  	[sflag:s4] =	ssyncset.done $0x0;
	s25 =	rddreg [dreg:$0xc]  }
0x67: {  	s18 =	simm.s32 $0x2;
	[sflag:s4] =	ssyncadd.s32 $0xFFFFF000;
	s23 =	sadd.s32 s25, s11  }
0x68: {  	[hbm4b:s23+s2] =	stream.linear.scatter [tilespmem:s30], [sflag:$0xB], $0x1000, $0x38;
	[tilespmem:$0xD200] =	vst v63  }
0x69: {  	_ =	swait.ge [sflag:s18], $0x1000  }
0x6a: {  	[sflag:s18] =	ssyncset.done $0x0  }
0x6b: {  	s31 =	simm.s32 $0x3;
	s23 =	sadd.s32 $0x4000, s23;
	[sflag:s18] =	ssyncadd.s32 $0xFFFFF000  }
0x6c: {  	[hbm4b:s23+s2] =	stream.linear.scatter [tilespmem:s0], [sflag:$0xC], $0x1000, $0x38;
	[tilespmem:$0xD200] =	vst v63  }
0x6d: {  	_ =	swait.ge [sflag:s31], $0x1000  }
0x6e: {  	s8 =	rddreg [dreg:$0xa];
	[sflag:s31] =	ssyncset.done $0x0  }
0x6f: {  	s9 =	simm.s32 $0x4;
	[sflag:s31] =	ssyncadd.s32 $0xFFFFF000;
	s23 =	sadd.s32 s25, s8  }
0x70: {  	[hbm4b:s23+s2] =	stream.linear.scatter [tilespmem:s7], [sflag:$0xD], $0x1000, $0x38;
	[tilespmem:$0xD200] =	vst v63  }
0x71: {  	_ =	swait.ge [sflag:s9], $0x1000  }
0x72: {  	s10 =	rddreg [dreg:$0x9];
	[sflag:s9] =	ssyncset.done $0x0  }
0x73: {  	s11 =	simm.s32 $0x5;
	[sflag:s9] =	ssyncadd.s32 $0xFFFFF000;
	s23 =	sadd.s32 s25, s10  }
0x74: {  	[hbm4b:s23+s2] =	stream.linear.scatter [tilespmem:s6], [sflag:$0xE], $0x1000, $0x38;
	[tilespmem:$0xD200] =	vst v63  }
0x75: {  	_ =	swait.ge [sflag:s11], $0x1000  }
0x76: {  	s18 =	rddreg [dreg:$0x8];
	[sflag:s11] =	ssyncset.done $0x0  }
0x77: {  	s31 =	simm.s32 $0x6;
	[sflag:s11] =	ssyncadd.s32 $0xFFFFF000;
	s23 =	sadd.s32 s25, s18  }
0x78: {  	[hbm4b:s23+s2] =	stream.linear.scatter [tilespmem:s5], [sflag:$0xF], $0x1000, $0x38;
	[tilespmem:$0xD200] =	vst v63  }
0x79: {  	_ =	swait.ge [sflag:s31], $0x1000  }
0x7a: {  	s8 =	rddreg [dreg:$0x7];
	[sflag:s31] =	ssyncset.done $0x0  }
0x7b: {  	[sflag:s31] =	ssyncadd.s32 $0xFFFFF000;
	s23 =	sadd.s32 s25, s8  }
0x7c: {  	[hbm4b:s23+s2] =	stream.linear.scatter [tilespmem:s24], [sflag:$0x10], $0x1000, $0x38;
	[tilespmem:$0xD200] =	vst v63  }
0x7d: {  	_ =	swait.ge [sflag:s13], $0x1000  }
0x7e: {  	s9 =	rddreg [dreg:$0x6];
	[sflag:s13] =	ssyncset.done $0x0  }
0x7f: {  	[sflag:s13] =	ssyncadd.s32 $0xFFFFF000;
	s23 =	sadd.s32 s25, s9  }
0x80: {  	[hbm4b:s23+s2] =	stream.linear.scatter [tilespmem:s22], [sflag:$0x11], $0x1000, $0x38;
	[tilespmem:$0xD200] =	vst v63  }
0x81: {  	_ =	swait.ge [sflag:s14], $0x1000  }
0x82: {  	s10 =	rddreg [dreg:$0x5];
	[sflag:s14] =	ssyncset.done $0x0  }
0x83: {  	[sflag:s14] =	ssyncadd.s32 $0xFFFFF000;
	s23 =	sadd.s32 s25, s10  }
0x84: {  	[hbm4b:s23+s2] =	stream.linear.scatter [tilespmem:s29], [sflag:$0x12], $0x1000, $0x38;
	[tilespmem:$0xD200] =	vst v63  }
0x85: {  	_ =	swait.ge [sflag:s15], $0x1000  }
0x86: {  	s11 =	rddreg [dreg:$0x4];
	[sflag:s15] =	ssyncset.done $0x0  }
0x87: {  	[sflag:s15] =	ssyncadd.s32 $0xFFFFF000;
	s23 =	sadd.s32 s25, s11  }
0x88: {  	[hbm4b:s23+s2] =	stream.linear.scatter [tilespmem:s28], [sflag:$0x13], $0x1000, $0x38;
	[tilespmem:$0xD200] =	vst v63  }
0x89: {  	_ =	swait.ge [sflag:s16], $0x1000  }
0x8a: {  	s18 =	rddreg [dreg:$0x3];
	[sflag:s16] =	ssyncset.done $0x0  }
0x8b: {  	[sflag:s16] =	ssyncadd.s32 $0xFFFFF000;
	s23 =	sadd.s32 s25, s18  }
0x8c: {  	[hbm4b:s23+s2] =	stream.linear.scatter [tilespmem:s1], [sflag:$0x14], $0x1000, $0x38;
	[tilespmem:$0xD200] =	vst v63  }
0x8d: {  	_ =	swait.ge [sflag:s19], $0x1000  }
0x8e: {  	[sflag:s19] =	ssyncset.done $0x0  }
0x8f: {  	s4 =	simm.s32 $0xC;
	s31 =	simm.s32 $0x500;
	[sflag:s19] =	ssyncadd.s32 $0xFFFFF000  }
0x90: {  	[tilespmem:s30], [sflag:$0x1] =	stream.indirect.gather [hbm4b:s3+s17], $0x20, s31, s17, $0xb8;
	[tilespmem:$0xD200] =	vst v63  }
0x91: {  	_ =	swait.ge [sflag:s4], $0x1000  }
0x92: {  	[sflag:s4] =	ssyncset.done $0x0  }
0x93: {  	s1 =	simm.s32 $0x580;
	[sflag:s4] =	ssyncadd.s32 $0xFFFFF000  }
0x94: {  	[tilespmem:s0], [sflag:$0x2] =	stream.indirect.gather [hbm4b:s3+s17], $0x20, s1, s17, $0xb8;
	[tilespmem:$0xD200] =	vst v63  }
0x95: {  	_ =	swait.ge [sflag:s20], $0x1000  }
0x96: {  	[sflag:s20] =	ssyncset.done $0x0  }
0x97: {  	s8 =	simm.s32 $0x600;
	[sflag:s20] =	ssyncadd.s32 $0xFFFFF000  }
0x98: {  	[tilespmem:s7], [sflag:$0x3] =	stream.indirect.gather [hbm4b:s3+s17], $0x20, s8, s17, $0xb8;
	[tilespmem:$0xD200] =	vst v63  }
0x99: {  	_ =	swait.ge [sflag:s21], $0x1000  }
0x9a: {  	[sflag:s21] =	ssyncset.done $0x0  }
0x9b: {  	s9 =	simm.s32 $0x680;
	[sflag:s21] =	ssyncadd.s32 $0xFFFFF000  }
0x9c: {  	[tilespmem:s6], [sflag:$0x4] =	stream.indirect.gather [hbm4b:s3+s17], $0x20, s9, s17, $0xb8;
	[tilespmem:$0xD200] =	vst v63  }
0x9d: {  	s6 =	simm.s32 $0xF  }
0x9e: {  	_ =	swait.ge [sflag:s6], $0x1000  }
0x9f: {  	[sflag:s6] =	ssyncset.done $0x0  }
0xa0: {  	s10 =	simm.s32 $0x700;
	[sflag:s6] =	ssyncadd.s32 $0xFFFFF000  }
0xa1: {  	[tilespmem:s5], [sflag:$0x5] =	stream.indirect.gather [hbm4b:s3+s17], $0x20, s10, s17, $0xb8;
	[tilespmem:$0xD200] =	vst v63  }
0xa2: {  	s5 =	simm.s32 $0x10  }
0xa3: {  	_ =	swait.ge [sflag:s5], $0x1000  }
0xa4: {  	[sflag:s5] =	ssyncset.done $0x0  }
0xa5: {  	s11 =	simm.s32 $0x780;
	[sflag:s5] =	ssyncadd.s32 $0xFFFFF000  }
0xa6: {  	[tilespmem:s24], [sflag:$0x6] =	stream.indirect.gather [hbm4b:s3+s17], $0x20, s11, s17, $0xb8;
	[tilespmem:$0xD200] =	vst v63  }
0xa7: {  	_ =	swait.ge [sflag:s26], $0x1000  }
0xa8: {  	[sflag:s26] =	ssyncset.done $0x0  }
0xa9: {  	s18 =	simm.s32 $0x800;
	[sflag:s26] =	ssyncadd.s32 $0xFFFFF000  }
0xaa: {  	[tilespmem:s22], [sflag:$0x7] =	stream.indirect.gather [hbm4b:s3+s17], $0x20, s18, s17, $0xb8;
	[tilespmem:$0xD200] =	vst v63  }
0xab: {  	s22 =	simm.s32 $0x12  }
0xac: {  	_ =	swait.ge [sflag:s22], $0x1000  }
0xad: {  	[sflag:s22] =	ssyncset.done $0x0  }
0xae: {  	s1 =	simm.s32 $0x13;
	s24 =	simm.s32 $0x880;
	[sflag:s22] =	ssyncadd.s32 $0xFFFFF000  }
0xaf: {  	[tilespmem:s29], [sflag:$0x8] =	stream.indirect.gather [hbm4b:s3+s17], $0x20, s24, s17, $0xb8;
	[tilespmem:$0xD200] =	vst v63  }
0xb0: {  	_ =	swait.ge [sflag:s1], $0x1000  }
0xb1: {  	[sflag:s1] =	ssyncset.done $0x0  }
0xb2: {  	s30 =	simm.s32 $0x900;
	s31 =	simm.s32 $0x14;
	[sflag:s1] =	ssyncadd.s32 $0xFFFFF000  }
0xb3: {  	[tilespmem:s28], [sflag:$0x9] =	stream.indirect.gather [hbm4b:s3+s17], $0x20, s30, s17, $0xb8;
	[tilespmem:$0xD200] =	vst v63  }
0xb4: {  	_ =	swait.ge [sflag:s31], $0x1000  }
0xb5: {  	s25 =	sadd.s32 $0x28000, s25;
	[sflag:s31] =	ssyncset.done $0x0  }
0xb6: {  	s23 =	simm.s32 $0x1400;
	s28 =	simm.s32 $0x980;
	[sflag:s31] =	ssyncadd.s32 $0xFFFFF000  }
.LBB2_4:
0xb7: {  	s31 =	simm.s32 $0xC200;
	s0 =	simm.s32 $0x1  }
0xb8: {  	[tilespmem:s31], [sflag:$0xA] =	stream.indirect.gather [hbm4b:s3+s17], $0x20, s28, s17, $0xb8;
	[tilespmem:$0xD200] =	vst v63  }
0xb9: {  	_ =	swait.ge [sflag:s0], $0x1000  }
0xba: {  	s11 =	simm.s32 $0x3200;
	s30 =	rddreg [dreg:$0xb];
	[sflag:s0] =	ssyncset.done $0x0  }
0xbb: {  	s8 =	simm.s32 $0x2;
	[sflag:s0] =	ssyncadd.s32 $0xFFFFF000;
	s30 =	sadd.s32 s25, s30  }
0xbc: {  	[hbm4b:s30+s2] =	stream.linear.scatter [tilespmem:s11], [sflag:$0xB], $0x1000, $0x38;
	[tilespmem:$0xD200] =	vst v63  }
0xbd: {  	_ =	swait.ge [sflag:s8], $0x1000  }
0xbe: {  	s10 =	simm.s32 $0x4200;
	[sflag:s8] =	ssyncset.done $0x0  }
0xbf: {  	s9 =	simm.s32 $0x3;
	s30 =	sadd.s32 $0x4000, s30;
	[sflag:s8] =	ssyncadd.s32 $0xFFFFF000  }
0xc0: {  	[hbm4b:s30+s2] =	stream.linear.scatter [tilespmem:s10], [sflag:$0xC], $0x1000, $0x38;
	[tilespmem:$0xD200] =	vst v63  }
0xc1: {  	_ =	swait.ge [sflag:s9], $0x1000  }
0xc2: {  	s18 =	simm.s32 $0x4;
	s30 =	rddreg [dreg:$0xa];
	[sflag:s9] =	ssyncset.done $0x0  }
0xc3: {  	[sflag:s9] =	ssyncadd.s32 $0xFFFFF000;
	s30 =	sadd.s32 s25, s30;
	s9 =	simm.s32 $0x5200  }
0xc4: {  	[hbm4b:s30+s2] =	stream.linear.scatter [tilespmem:s9], [sflag:$0xD], $0x1000, $0x38;
	[tilespmem:$0xD200] =	vst v63  }
0xc5: {  	_ =	swait.ge [sflag:s18], $0x1000  }
0xc6: {  	s24 =	simm.s32 $0x5;
	s30 =	rddreg [dreg:$0x9];
	[sflag:s18] =	ssyncset.done $0x0  }
0xc7: {  	s8 =	simm.s32 $0x6200;
	[sflag:s18] =	ssyncadd.s32 $0xFFFFF000;
	s30 =	sadd.s32 s25, s30  }
0xc8: {  	[hbm4b:s30+s2] =	stream.linear.scatter [tilespmem:s8], [sflag:$0xE], $0x1000, $0x38;
	[tilespmem:$0xD200] =	vst v63  }
0xc9: {  	_ =	swait.ge [sflag:s24], $0x1000  }
0xca: {  	s7 =	simm.s32 $0x7200;
	s30 =	rddreg [dreg:$0x8];
	[sflag:s24] =	ssyncset.done $0x0  }
0xcb: {  	s29 =	simm.s32 $0x6;
	[sflag:s24] =	ssyncadd.s32 $0xFFFFF000;
	s30 =	sadd.s32 s25, s30  }
0xcc: {  	[hbm4b:s30+s2] =	stream.linear.scatter [tilespmem:s7], [sflag:$0xF], $0x1000, $0x38;
	[tilespmem:$0xD200] =	vst v63  }
0xcd: {  	_ =	swait.ge [sflag:s29], $0x1000  }
0xce: {  	s30 =	rddreg [dreg:$0x7];
	[sflag:s29] =	ssyncset.done $0x0  }
0xcf: {  	s0 =	simm.s32 $0x8200;
	[sflag:s29] =	ssyncadd.s32 $0xFFFFF000;
	s30 =	sadd.s32 s25, s30  }
0xd0: {  	[hbm4b:s30+s2] =	stream.linear.scatter [tilespmem:s0], [sflag:$0x10], $0x1000, $0x38;
	[tilespmem:$0xD200] =	vst v63  }
0xd1: {  	_ =	swait.ge [sflag:s13], $0x1000  }
0xd2: {  	s30 =	rddreg [dreg:$0x6];
	[sflag:s13] =	ssyncset.done $0x0  }
0xd3: {  	s18 =	simm.s32 $0x9200;
	[sflag:s13] =	ssyncadd.s32 $0xFFFFF000;
	s30 =	sadd.s32 s25, s30  }
0xd4: {  	[hbm4b:s30+s2] =	stream.linear.scatter [tilespmem:s18], [sflag:$0x11], $0x1000, $0x38;
	[tilespmem:$0xD200] =	vst v63  }
0xd5: {  	_ =	swait.ge [sflag:s14], $0x1000  }
0xd6: {  	s30 =	rddreg [dreg:$0x5];
	[sflag:s14] =	ssyncset.done $0x0  }
0xd7: {  	s24 =	simm.s32 $0xA200;
	[sflag:s14] =	ssyncadd.s32 $0xFFFFF000;
	s30 =	sadd.s32 s25, s30  }
0xd8: {  	[hbm4b:s30+s2] =	stream.linear.scatter [tilespmem:s24], [sflag:$0x12], $0x1000, $0x38;
	[tilespmem:$0xD200] =	vst v63  }
0xd9: {  	_ =	swait.ge [sflag:s15], $0x1000  }
0xda: {  	s30 =	rddreg [dreg:$0x4];
	[sflag:s15] =	ssyncset.done $0x0  }
0xdb: {  	s29 =	simm.s32 $0xB200;
	[sflag:s15] =	ssyncadd.s32 $0xFFFFF000;
	s30 =	sadd.s32 s25, s30  }
0xdc: {  	[hbm4b:s30+s2] =	stream.linear.scatter [tilespmem:s29], [sflag:$0x13], $0x1000, $0x38;
	[tilespmem:$0xD200] =	vst v63  }
0xdd: {  	_ =	swait.ge [sflag:s16], $0x1000  }
0xde: {  	s30 =	rddreg [dreg:$0x3];
	[sflag:s16] =	ssyncset.done $0x0  }
0xdf: {  	[sflag:s16] =	ssyncadd.s32 $0xFFFFF000;
	s30 =	sadd.s32 s25, s30  }
0xe0: {  	[hbm4b:s30+s2] =	stream.linear.scatter [tilespmem:s31], [sflag:$0x14], $0x1000, $0x38;
	[tilespmem:$0xD200] =	vst v63  }
0xe1: {  	s28 =	smov.u32 s23;
	_ =	swait.ge [sflag:s19], $0x1000  }
0xe2: {  	s28 =	sshra.s32 s28, $0x2;
	[sflag:s19] =	ssyncset.done $0x0  }
0xe3: {  	s30 =	sadd.s32 $0x500, s28;
	[sflag:s19] =	ssyncadd.s32 $0xFFFFF000  }
0xe4: {  	[tilespmem:s11], [sflag:$0x1] =	stream.indirect.gather [hbm4b:s3+s17], $0x20, s30, s17, $0xb8;
	[tilespmem:$0xD200] =	vst v63  }
0xe5: {  	_ =	swait.ge [sflag:s4], $0x1000  }
0xe6: {  	[sflag:s4] =	ssyncset.done $0x0  }
0xe7: {  	s30 =	sadd.s32 $0x580, s28;
	[sflag:s4] =	ssyncadd.s32 $0xFFFFF000  }
0xe8: {  	[tilespmem:s10], [sflag:$0x2] =	stream.indirect.gather [hbm4b:s3+s17], $0x20, s30, s17, $0xb8;
	[tilespmem:$0xD200] =	vst v63  }
0xe9: {  	_ =	swait.ge [sflag:s20], $0x1000  }
0xea: {  	[sflag:s20] =	ssyncset.done $0x0  }
0xeb: {  	s30 =	sadd.s32 $0x600, s28;
	[sflag:s20] =	ssyncadd.s32 $0xFFFFF000  }
0xec: {  	[tilespmem:s9], [sflag:$0x3] =	stream.indirect.gather [hbm4b:s3+s17], $0x20, s30, s17, $0xb8;
	[tilespmem:$0xD200] =	vst v63  }
0xed: {  	_ =	swait.ge [sflag:s21], $0x1000  }
0xee: {  	[sflag:s21] =	ssyncset.done $0x0  }
0xef: {  	s30 =	sadd.s32 $0x680, s28;
	[sflag:s21] =	ssyncadd.s32 $0xFFFFF000  }
0xf0: {  	[tilespmem:s8], [sflag:$0x4] =	stream.indirect.gather [hbm4b:s3+s17], $0x20, s30, s17, $0xb8;
	[tilespmem:$0xD200] =	vst v63  }
0xf1: {  	_ =	swait.ge [sflag:s6], $0x1000  }
0xf2: {  	[sflag:s6] =	ssyncset.done $0x0  }
0xf3: {  	s30 =	sadd.s32 $0x700, s28;
	[sflag:s6] =	ssyncadd.s32 $0xFFFFF000  }
0xf4: {  	[tilespmem:s7], [sflag:$0x5] =	stream.indirect.gather [hbm4b:s3+s17], $0x20, s30, s17, $0xb8;
	[tilespmem:$0xD200] =	vst v63  }
0xf5: {  	_ =	swait.ge [sflag:s5], $0x1000  }
0xf6: {  	[sflag:s5] =	ssyncset.done $0x0  }
0xf7: {  	s30 =	sadd.s32 $0x780, s28;
	[sflag:s5] =	ssyncadd.s32 $0xFFFFF000  }
0xf8: {  	[tilespmem:s0], [sflag:$0x6] =	stream.indirect.gather [hbm4b:s3+s17], $0x20, s30, s17, $0xb8;
	[tilespmem:$0xD200] =	vst v63  }
0xf9: {  	_ =	swait.ge [sflag:s26], $0x1000  }
0xfa: {  	[sflag:s26] =	ssyncset.done $0x0  }
0xfb: {  	s30 =	sadd.s32 $0x800, s28;
	[sflag:s26] =	ssyncadd.s32 $0xFFFFF000  }
0xfc: {  	[tilespmem:s18], [sflag:$0x7] =	stream.indirect.gather [hbm4b:s3+s17], $0x20, s30, s17, $0xb8;
	[tilespmem:$0xD200] =	vst v63  }
0xfd: {  	_ =	swait.ge [sflag:s22], $0x1000  }
0xfe: {  	[sflag:s22] =	ssyncset.done $0x0  }
0xff: {  	s30 =	sadd.s32 $0x880, s28;
	[sflag:s22] =	ssyncadd.s32 $0xFFFFF000  }
0x100: {  	[tilespmem:s24], [sflag:$0x8] =	stream.indirect.gather [hbm4b:s3+s17], $0x20, s30, s17, $0xb8;
	[tilespmem:$0xD200] =	vst v63  }
0x101: {  	_ =	swait.ge [sflag:s1], $0x1000  }
0x102: {  	p0 =	sne.s32 s23, $0xA000;
	[sflag:s1] =	ssyncset.done $0x0  }
0x103: {  	s23 =	sadd.s32 $0x1400, s23;
	s30 =	sadd.s32 $0x900, s28;
	[sflag:s1] =	ssyncadd.s32 $0xFFFFF000  }
0x104: {  	[tilespmem:s29], [sflag:$0x9] =	stream.indirect.gather [hbm4b:s3+s17], $0x20, s30, s17, $0xb8;
	[tilespmem:$0xD200] =	vst v63  }
.Ltmp1:
0x105: {  	s25 =	sadd.s32 $0x28000, s25;
	s31 =	simm.s32 $0xB200;
	(pc) =	sbr.rel @p0 .LBB2_4-.Ltmp1, $4  }
0x106: {  	s11 =	simm.s32 $0x4200;
	s10 =	simm.s32 $0x5200;
	s30 =	simm.s32 $0x14  }
0x107: {  	s9 =	simm.s32 $0x6200;
	s8 =	simm.s32 $0x7200;
	_ =	swait.ge [sflag:s30], $0x1000  }
0x108: {  	s7 =	simm.s32 $0x8200;
	s0 =	simm.s32 $0x9200;
	[sflag:s30] =	ssyncset.done $0x0  }
0x109: {  	s18 =	simm.s32 $0xA200;
	s28 =	sadd.s32 $0x980, s28;
	[sflag:s30] =	ssyncadd.s32 $0xFFFFF000  }
0x10a: {  	s25 =	simm.s32 $0xC200;
	s23 =	simm.s32 $0x1  }
0x10b: {  	[tilespmem:s25], [sflag:$0xA] =	stream.indirect.gather [hbm4b:s3+s17], $0x20, s28, s17, $0xb8;
	[tilespmem:$0xD200] =	vst v63  }
0x10c: {  	_ =	swait.ge [sflag:s23], $0x1000  }
0x10d: {  	[sflag:s23] =	ssyncset.done $0x0  }
0x10e: {  	s28 =	simm.s32 $0x2;
	s24 =	rddreg [dreg:$0xe];
	[sflag:s23] =	ssyncadd.s32 $0xFFFFF000  }
0x10f: {  	[hbm4b:s24+s2] =	stream.linear.scatter [tilespmem:s12], [sflag:$0xB], $0x1000, $0x38;
	[tilespmem:$0xD200] =	vst v63  }
0x110: {  	_ =	swait.ge [sflag:s28], $0x1000  }
0x111: {  	[sflag:s28] =	ssyncset.done $0x0  }
0x112: {  	s24 =	simm.s32 $0x3;
	s29 =	rddreg [dreg:$0xf];
	[sflag:s28] =	ssyncadd.s32 $0xFFFFF000  }
0x113: {  	[hbm4b:s29+s2] =	stream.linear.scatter [tilespmem:s11], [sflag:$0xC], $0x1000, $0x38;
	[tilespmem:$0xD200] =	vst v63  }
0x114: {  	_ =	swait.ge [sflag:s24], $0x1000  }
0x115: {  	[sflag:s24] =	ssyncset.done $0x0  }
0x116: {  	s29 =	simm.s32 $0x4;
	s28 =	rddreg [dreg:$0x10];
	[sflag:s24] =	ssyncadd.s32 $0xFFFFF000  }
0x117: {  	[hbm4b:s28+s2] =	stream.linear.scatter [tilespmem:s10], [sflag:$0xD], $0x1000, $0x38;
	[tilespmem:$0xD200] =	vst v63  }
0x118: {  	_ =	swait.ge [sflag:s29], $0x1000  }
0x119: {  	[sflag:s29] =	ssyncset.done $0x0  }
0x11a: {  	s24 =	simm.s32 $0x5;
	s11 =	rddreg [dreg:$0x11];
	[sflag:s29] =	ssyncadd.s32 $0xFFFFF000  }
0x11b: {  	[hbm4b:s11+s2] =	stream.linear.scatter [tilespmem:s9], [sflag:$0xE], $0x1000, $0x38;
	[tilespmem:$0xD200] =	vst v63  }
0x11c: {  	_ =	swait.ge [sflag:s24], $0x1000  }
0x11d: {  	[sflag:s24] =	ssyncset.done $0x0  }
0x11e: {  	s29 =	simm.s32 $0x6;
	s28 =	rddreg [dreg:$0x12];
	[sflag:s24] =	ssyncadd.s32 $0xFFFFF000  }
0x11f: {  	[hbm4b:s28+s2] =	stream.linear.scatter [tilespmem:s8], [sflag:$0xF], $0x1000, $0x38;
	[tilespmem:$0xD200] =	vst v63  }
0x120: {  	_ =	swait.ge [sflag:s29], $0x1000  }
0x121: {  	[sflag:s29] =	ssyncset.done $0x0  }
0x122: {  	s9 =	rddreg [dreg:$0x13];
	[sflag:s29] =	ssyncadd.s32 $0xFFFFF000  }
0x123: {  	[hbm4b:s9+s2] =	stream.linear.scatter [tilespmem:s7], [sflag:$0x10], $0x1000, $0x38;
	[tilespmem:$0xD200] =	vst v63  }
0x124: {  	_ =	swait.ge [sflag:s13], $0x1000  }
0x125: {  	[sflag:s13] =	ssyncset.done $0x0  }
0x126: {  	s10 =	rddreg [dreg:$0x14];
	[sflag:s13] =	ssyncadd.s32 $0xFFFFF000  }
0x127: {  	[hbm4b:s10+s2] =	stream.linear.scatter [tilespmem:s0], [sflag:$0x11], $0x1000, $0x38;
	[tilespmem:$0xD200] =	vst v63  }
0x128: {  	_ =	swait.ge [sflag:s14], $0x1000  }
0x129: {  	[sflag:s14] =	ssyncset.done $0x0  }
0x12a: {  	s11 =	rddreg [dreg:$0x15];
	[sflag:s14] =	ssyncadd.s32 $0xFFFFF000  }
0x12b: {  	[hbm4b:s11+s2] =	stream.linear.scatter [tilespmem:s18], [sflag:$0x12], $0x1000, $0x38;
	[tilespmem:$0xD200] =	vst v63  }
0x12c: {  	_ =	swait.ge [sflag:s15], $0x1000  }
0x12d: {  	[sflag:s15] =	ssyncset.done $0x0  }
0x12e: {  	s24 =	rddreg [dreg:$0x16];
	[sflag:s15] =	ssyncadd.s32 $0xFFFFF000  }
0x12f: {  	[hbm4b:s24+s2] =	stream.linear.scatter [tilespmem:s31], [sflag:$0x13], $0x1000, $0x38;
	[tilespmem:$0xD200] =	vst v63  }
0x130: {  	_ =	swait.ge [sflag:s16], $0x1000  }
0x131: {  	[sflag:s16] =	ssyncset.done $0x0  }
0x132: {  	s28 =	rddreg [dreg:$0x17];
	[sflag:s16] =	ssyncadd.s32 $0xFFFFF000  }
0x133: {  	[hbm4b:s28+s2] =	stream.linear.scatter [tilespmem:s25], [sflag:$0x14], $0x1000, $0x38;
	[tilespmem:$0xD200] =	vst v63  }
0x134: {  	_ =	swait.ge [sflag:s19], $0x1000  }
0x135: {  	[sflag:s19] =	ssyncset.done $0x0  }
0x136: {  	[sflag:s19] =	ssyncadd.s32 $0xFFFFF000  }
0x137: {  	_ =	swait.ge [sflag:s4], $0x1000  }
0x138: {  	[sflag:s4] =	ssyncset.done $0x0  }
0x139: {  	[sflag:s4] =	ssyncadd.s32 $0xFFFFF000  }
0x13a: {  	_ =	swait.ge [sflag:s20], $0x1000  }
0x13b: {  	[sflag:s20] =	ssyncset.done $0x0  }
0x13c: {  	[sflag:s20] =	ssyncadd.s32 $0xFFFFF000  }
0x13d: {  	_ =	swait.ge [sflag:s21], $0x1000  }
0x13e: {  	[sflag:s21] =	ssyncset.done $0x0  }
0x13f: {  	[sflag:s21] =	ssyncadd.s32 $0xFFFFF000  }
0x140: {  	_ =	swait.ge [sflag:s6], $0x1000  }
0x141: {  	[sflag:s6] =	ssyncset.done $0x0  }
0x142: {  	[sflag:s6] =	ssyncadd.s32 $0xFFFFF000  }
0x143: {  	_ =	swait.ge [sflag:s5], $0x1000  }
0x144: {  	[sflag:s5] =	ssyncset.done $0x0  }
0x145: {  	[sflag:s5] =	ssyncadd.s32 $0xFFFFF000  }
0x146: {  	_ =	swait.ge [sflag:s26], $0x1000  }
0x147: {  	[sflag:s26] =	ssyncset.done $0x0  }
0x148: {  	[sflag:s26] =	ssyncadd.s32 $0xFFFFF000  }
0x149: {  	_ =	swait.ge [sflag:s22], $0x1000  }
0x14a: {  	[sflag:s22] =	ssyncset.done $0x0  }
0x14b: {  	[sflag:s22] =	ssyncadd.s32 $0xFFFFF000  }
0x14c: {  	_ =	swait.ge [sflag:s1], $0x1000  }
0x14d: {  	[sflag:s1] =	ssyncset.done $0x0  }
0x14e: {  	[sflag:s1] =	ssyncadd.s32 $0xFFFFF000  }
0x14f: {  	_ =	swait.ge [sflag:s30], $0x1000  }
0x150: {  	s29 =	rddreg [dreg:$0x19]  }
0x151: {  	s31 =	rddreg [dreg:$0x18];
	s1 =	sadd.s32 $0x1, s29  }
0x152: {  	p0 =	sne.s32 s1, s31  }
.Ltmp2:
0x153: {  	_ = 	snop;
	(pc) =	sbr.rel @p0 .LBB2_1-.Ltmp2, $3  }
0x154: {  	_ =	sdelay $0x1  }
0x155: {  	[sflag:s30] =	ssyncset.done $0x0  }
0x156: {  	s0 =	simm.s32 $0x4200;
	[sflag:s30] =	ssyncadd.s32 $0xFFFFF000;
	s30 =	simm.s32 $0x3200  }
0x157: {  	_ =	sfence.sel $0x180000  }
0x158: {  	[bflag:$0x0] =	sbarrier.arrive $0xFFFF  }
0x159: {  	_ =	strace $0x90000047  }
0x15a: {  	s0 =	stileid.u32;
	[bflag:$0x2] =	sbarrier.arrive $0xFFFF  }
0x15b: {  	p0 =	sne.s32 s0, $0x0;
	s0 =	rddreg [dreg:$0x2]  }
0x15c: {  	s0 =	sadd.s32 @!p0 $0x100000, s0  }
0x15d: {  	[sflag:s0] =	ssyncadd.tile.s32 @!p0 $0x1;
	_ =	shalt  }
.Lfunc_end2:
_tile_overlayer_lowered:
.L_overlay_start_2:
0x15e: {  	(tag) =	ssettag $0x2  }
0x15f: {  	s0 =	rddreg [dreg:$0x0];
	s2 =	stileid.u32  }
0x160: {  	s1 =	rddreg [dreg:$0x1];
	p0 =	sne.s32 s2, $0x0  }
0x161: {  	s3 =	rddreg [dreg:$0x2];
	[bflag:$0x3] =	sbarrier.arrive $0xFFFF;
	s2 =	simm.s32 @!p0 $0x1C15  }
0x162: {  	[timem:s3], [sflag:s2] =	dma.local @!p0 [hbm:s0], s1  }
0x163: {  	s0 =	simm.s32 @!p0 $0x15  }
0x164: {  	_ =	swait.ge @!p0 [sflag:s0], s1  }
0x165: {  	s1 =	ssub.s32 @!p0 $0x0, s1;
	[sflag:s0] =	ssyncset.done @!p0 $0x0  }
0x166: {  	[sflag:s0] =	ssyncadd.s32 @!p0 s1  }
0x167: {  	[bflag:$0x3] =	sbarrier.arrive $0xFFFF  }
0x168: {  	_ =	shalt  }

</sc_bundles>
